<compile_context>
chip_gen: v7x
topology: tpu7x:2x2x1
jax: 0.10.2.dev20260603
libtpu: 0.0.44.dev20260713+nightly
codegen_flags: <defaults>
</compile_context>

<pallas_src>
import functools

import jax
import jax.numpy as jnp
from jax import lax
from jax.experimental import pallas as pl
from jax.experimental.pallas import tpu as pltpu
from jax.experimental.pallas import tpu_sc as plsc

T_OUT = 2048
_C = 32
_CZ = 16
_NB = 3
_L = 16


@functools.lru_cache(maxsize=None)
def _build_sc_kernel(N, P, D, T, NW, NC):
    rows_w = N // NW
    nchunks = rows_w // _C
    pad_w = P // NW
    pchunks = pad_w // _CZ

    mesh = plsc.VectorSubcoreMesh(core_axis_name="c", subcore_axis_name="s")

    @functools.partial(
        pl.kernel,
        mesh=mesh,
        compiler_params=pltpu.CompilerParams(needs_layout_passes=False),
        out_type=jax.ShapeDtypeStruct((N + P, D), jnp.float32),
        scratch_types=[
            pltpu.VMEM((T,), jnp.int32),
            pltpu.VMEM((32,), jnp.int32),
            pltpu.VMEM((_L,), jnp.int32),
            pltpu.VMEM((nchunks, _C), jnp.int32),
            pltpu.VMEM((pchunks, _CZ), jnp.int32),
            pltpu.VMEM((_C, D), jnp.float32),
            pltpu.VMEM((_C, D), jnp.float32),
            pltpu.VMEM((_C, D), jnp.float32),
            pltpu.VMEM((_CZ, D), jnp.float32),
            pltpu.SemaphoreType.DMA,
            pltpu.SemaphoreType.DMA,
            pltpu.SemaphoreType.DMA,
            pltpu.SemaphoreType.DMA,
            pltpu.SemaphoreType.DMA,
            pltpu.SemaphoreType.DMA,
            pltpu.SemaphoreType.DMA,
            pltpu.SemaphoreType.DMA,
        ],
    )
    def k(x_hbm, prefix_hbm, cumpad_hbm, len_hbm, zsrc_hbm, out_hbm,
          prefix_v, cumpad_v, len_v, sidx_v, zidx_v, buf0, buf1, buf2,
          zero_v, l0, l1, l2, s0, s1, s2, zsem, tsem):
        bufs = (buf0, buf1, buf2)
        lsem = (l0, l1, l2)
        ssem = (s0, s1, s2)
        wid = lax.axis_index("s") * NC + lax.axis_index("c")
        base = wid * rows_w
        zbase = wid * pad_w
        lane = jnp.arange(_L, dtype=jnp.int32)

        def load(i, b, sem_i):
            return pltpu.make_async_copy(
                x_hbm.at[pl.ds(base + i * _C, _C), :], bufs[b], lsem[sem_i])

        def scat(i, b, sem_i):
            return pltpu.make_async_copy(
                bufs[b], out_hbm.at[sidx_v.at[i]], ssem[sem_i])

        tabs = (
            pltpu.make_async_copy(prefix_hbm, prefix_v, tsem),
            pltpu.make_async_copy(cumpad_hbm, cumpad_v, tsem),
            pltpu.make_async_copy(len_hbm, len_v, tsem),
            pltpu.make_async_copy(zsrc_hbm, zero_v, tsem),
        )

        for b in range(_NB):
            load(b, b, b).start()
        for t_ in tabs:
            t_.start()
        for t_ in tabs:
            t_.wait()

        def gen_z(i, carry):
            for h in range(_CZ // _L):
                j = lane + (zbase + i * _CZ + h * _L)
                lo = jnp.zeros((_L,), jnp.int32)
                for bit in (16, 8, 4, 2, 1):
                    cand = lo | bit
                    cm = plsc.load_gather(cumpad_v, [cand])
                    lo = jnp.where(cm <= j, cand, lo)
                lb = plsc.load_gather(len_v, [lo])
                cp = plsc.load_gather(cumpad_v, [lo])
                zidx_v[i, pl.ds(h * _L, _L)] = lo * T + lb + (j - cp)
            pltpu.async_copy(zero_v, out_hbm.at[zidx_v.at[i]], zsem)
            return carry

        lax.fori_loop(0, pchunks, gen_z, 0)

        def gen_s(i, carry):
            for h in range(_C // _L):
                p = lane + (base + i * _C + h * _L)
                lo = jnp.zeros((_L,), jnp.int32)
                for bit in (1024, 512, 256, 128, 64, 32, 16, 8, 4, 2, 1):
                    cand = lo | bit
                    pm = plsc.load_gather(prefix_v, [cand])
                    lo = jnp.where(pm <= p, cand, lo)
                pt = plsc.load_gather(prefix_v, [lo])
                sidx_v[i, pl.ds(h * _L, _L)] = (p - pt) * T + lo
            return carry

        lax.fori_loop(0, nchunks, gen_s, 0)

        def body(i, carry):
            for b in range(_NB):
                c = (b + 1) % _NB

                @pl.when(i % _NB == b)
                def _(b=b, c=c):
                    load(i, b, b).wait()
                    scat(i, b, b).start()

                    @pl.when(i + 1 < nchunks)
                    def _(b=b, c=c):
                        @pl.when(i >= _NB - 1)
                        def _(c=c):
                            scat(i - (_NB - 1), c, c).wait()

                            load(i + 1, c, c).start()

            return carry

        lax.fori_loop(0, nchunks, body, 0)

        for j in range(nchunks - _NB, nchunks):
            scat(j, j % _NB, j % _NB).wait()

        def zdrain(j, carry):
            pltpu.make_async_copy(zero_v, out_hbm.at[zidx_v.at[j]],
                                  zsem).wait()
            return carry

        lax.fori_loop(0, pchunks, zdrain, 0)

    return k


def kernel(x, lengths):
    N, D = x.shape
    B = lengths.shape[0]
    T = T_OUT
    P = B * T - N

    info = plsc.get_sparse_core_info()
    NC, NS = info.num_cores, info.num_subcores
    NW = NC * NS

    t = jnp.arange(T, dtype=jnp.int32)
    lens32 = lengths.astype(jnp.int32)
    prefix = jnp.sum(jnp.minimum(lens32[None, :], t[:, None]),
                     axis=1).astype(jnp.int32)
    i32 = jnp.arange(32, dtype=jnp.int32)
    cumpad = jnp.where(
        i32 > B,
        jnp.iinfo(jnp.int32).max,
        jnp.sum(jnp.where(jnp.arange(B, dtype=jnp.int32)[None, :]
                          < i32[:, None],
                          T - lens32[None, :], 0), axis=1)).astype(jnp.int32)
    zsrc = jnp.zeros((_CZ, D), x.dtype)

    k = _build_sc_kernel(N, P, D, T, NW, NC)
    out = k(x, prefix, cumpad, lens32, zsrc)
    return out.reshape(B, T, D)

# --- scband reference (transcript-rebuilt; emitter-appended) ---
"""Pipeline reference for scband-pad-packed-sequence-1116691497014 (READ-ONLY COPY).

The authoritative reference and input builder live on the scoring server;
editing this copy changes nothing except your own understanding.
"""

import jax, jax.numpy as jnp
import numpy as np

B = 16
T_MAX = 2048
D = 1024

def _make_lengths():
    # Descending lengths (PackedSequence convention), max=2048, sum=17408 (~B*T/2)
    return np.asarray(2048 - np.arange(B) * 128, dtype=np.int32)

def setup_inputs(seed: int = 0) -> dict:
    key = jax.random.key(seed)
    lengths_np = _make_lengths()
    total_tokens = int(lengths_np.sum())  # 17408
    x = jax.random.normal(jax.random.fold_in(key, 0), (total_tokens, D), dtype=jnp.float32)
    lengths = jnp.asarray(lengths_np, dtype=jnp.int32)
    return {"x": x, "lengths": lengths}

def reference(x, lengths):
    # Emulates torch.nn.utils.rnn.pad_packed_sequence(batch_first=True,
    # total_length=lengths.max()). `x` is the PackedSequence .data tensor
    # laid out time-major: at step t, the first batch_sizes[t] sequences
    # (lengths sorted descending) contribute one row each.
    B_ = lengths.shape[0]
    T = T_MAX
    t = jnp.arange(T, dtype=jnp.int32)
    # batch_sizes[t] = number of sequences with length > t
    batch_sizes = jnp.sum(lengths[None, :] > t[:, None], axis=1).astype(jnp.int32)  # [T]
    prefix = jnp.concatenate([jnp.zeros((1,), jnp.int32), jnp.cumsum(batch_sizes)[:-1].astype(jnp.int32)])  # [T]
    # packed index of (b, t): prefix[t] + b, valid only when t < lengths[b]
    idx = prefix[None, :] + jnp.arange(B_, dtype=jnp.int32)[:, None]  # [B, T]
    mask = t[None, :] < lengths[:, None]  # [B, T]
    idx_c = jnp.clip(idx, 0, x.shape[0] - 1)
    gathered = jnp.take(x, idx_c, axis=0)  # [B, T, D]
    out = jnp.where(mask[:, :, None], gathered, jnp.zeros((), dtype=x.dtype))
    return out

if __name__ == "__main__":
    import jax
    _d = setup_inputs()
    print(jax.jit(kernel)(*tuple(_d.values())))

</pallas_src>

<mosaic_0001>
#map = affine_map<(d0, d1) -> (0, 0)>
#map1 = affine_map<(d0, d1) -> (0)>
module attributes {stable_mosaic.version = 14 : i64} {
  func.func @k(%arg0: i32, %arg1: i32, %arg2: memref<17408x1024xf32, #tpu.memory_space<hbm>>, %arg3: memref<2048xi32, #tpu.memory_space<hbm>>, %arg4: memref<32xi32, #tpu.memory_space<hbm>>, %arg5: memref<16xi32, #tpu.memory_space<hbm>>, %arg6: memref<16x1024xf32, #tpu.memory_space<hbm>>, %arg7: memref<32768x1024xf32, #tpu.memory_space<hbm>>, %arg8: memref<2048xi32, #tpu.memory_space<vmem>>, %arg9: memref<32xi32, #tpu.memory_space<vmem>>, %arg10: memref<16xi32, #tpu.memory_space<vmem>>, %arg11: memref<17x32xi32, #tpu.memory_space<vmem>>, %arg12: memref<30x16xi32, #tpu.memory_space<vmem>>, %arg13: memref<32x1024xf32, #tpu.memory_space<vmem>>, %arg14: memref<32x1024xf32, #tpu.memory_space<vmem>>, %arg15: memref<32x1024xf32, #tpu.memory_space<vmem>>, %arg16: memref<16x1024xf32, #tpu.memory_space<vmem>>, %arg17: memref<!tpu.dma_semaphore, #tpu.memory_space<semaphore_mem>>, %arg18: memref<!tpu.dma_semaphore, #tpu.memory_space<semaphore_mem>>, %arg19: memref<!tpu.dma_semaphore, #tpu.memory_space<semaphore_mem>>, %arg20: memref<!tpu.dma_semaphore, #tpu.memory_space<semaphore_mem>>, %arg21: memref<!tpu.dma_semaphore, #tpu.memory_space<semaphore_mem>>, %arg22: memref<!tpu.dma_semaphore, #tpu.memory_space<semaphore_mem>>, %arg23: memref<!tpu.dma_semaphore, #tpu.memory_space<semaphore_mem>>, %arg24: memref<!tpu.dma_semaphore, #tpu.memory_space<semaphore_mem>>) attributes {dimension_semantics = [#tpu.dimension_semantics<core_parallel>, #tpu.dimension_semantics<subcore_parallel>], iteration_bounds = array<i64: 2, 16>, scalar_prefetch = 0 : i64, scratch_operands = 17 : i64, tpu.core_type = #tpu.core_type<sc_vector_subcore>, window_params = [{transform_indices = #map}, {transform_indices = #map1}, {transform_indices = #map1}, {transform_indices = #map1}, {transform_indices = #map}, {transform_indices = #map}]} {
    %mul3A = arith.constant 2 : i32
    %mul3A_0 = arith.muli %arg1, %mul3A : i32
    %add3A = arith.addi %mul3A_0, %arg0 : i32
    %mul3A_1 = arith.constant 544 : i32
    %mul3A_2 = arith.muli %add3A, %mul3A_1 : i32
    %mul3A_3 = arith.constant 480 : i32
    %mul3A_4 = arith.muli %add3A, %mul3A_3 : i32
    %iota3A = tpu.iota {dimensions = array<i32: 0>} : vector<16xi32>
    %add3A_5 = arith.constant 0 : i32
    %add3A_6 = arith.addi %mul3A_2, %add3A_5 : i32
    %dma_start3A = arith.constant 0 : i32
    %dma_start3A_7 = tpu.memref_slice %arg2[%add3A_6, %dma_start3A] : memref<17408x1024xf32, #tpu.memory_space<hbm>> -> memref<32x1024xf32, #tpu.memory_space<hbm>>
    %dma_start3A_8 = arith.constant 0 : i32
    %dma_start3A_9 = tpu.memref_slice %arg2[%add3A_6, %dma_start3A_8] : memref<17408x1024xf32, #tpu.memory_space<hbm>> -> memref<32x1024xf32, #tpu.memory_space<hbm>>
    tpu.enqueue_dma source(%dma_start3A_9 : memref<32x1024xf32, #tpu.memory_space<hbm>>) target(%arg13 : memref<32x1024xf32, #tpu.memory_space<vmem>>) target_semaphore(%arg17 : memref<!tpu.dma_semaphore, #tpu.memory_space<semaphore_mem>>)
    %add3A_10 = arith.constant 32 : i32
    %add3A_11 = arith.addi %mul3A_2, %add3A_10 : i32
    %dma_start3A_12 = arith.constant 0 : i32
    %dma_start3A_13 = tpu.memref_slice %arg2[%add3A_11, %dma_start3A_12] : memref<17408x1024xf32, #tpu.memory_space<hbm>> -> memref<32x1024xf32, #tpu.memory_space<hbm>>
    %dma_start3A_14 = arith.constant 0 : i32
    %dma_start3A_15 = tpu.memref_slice %arg2[%add3A_11, %dma_start3A_14] : memref<17408x1024xf32, #tpu.memory_space<hbm>> -> memref<32x1024xf32, #tpu.memory_space<hbm>>
    tpu.enqueue_dma source(%dma_start3A_15 : memref<32x1024xf32, #tpu.memory_space<hbm>>) target(%arg14 : memref<32x1024xf32, #tpu.memory_space<vmem>>) target_semaphore(%arg18 : memref<!tpu.dma_semaphore, #tpu.memory_space<semaphore_mem>>)
    %add3A_16 = arith.constant 64 : i32
    %add3A_17 = arith.addi %mul3A_2, %add3A_16 : i32
    %dma_start3A_18 = arith.constant 0 : i32
    %dma_start3A_19 = tpu.memref_slice %arg2[%add3A_17, %dma_start3A_18] : memref<17408x1024xf32, #tpu.memory_space<hbm>> -> memref<32x1024xf32, #tpu.memory_space<hbm>>
    %dma_start3A_20 = arith.constant 0 : i32
    %dma_start3A_21 = tpu.memref_slice %arg2[%add3A_17, %dma_start3A_20] : memref<17408x1024xf32, #tpu.memory_space<hbm>> -> memref<32x1024xf32, #tpu.memory_space<hbm>>
    tpu.enqueue_dma source(%dma_start3A_21 : memref<32x1024xf32, #tpu.memory_space<hbm>>) target(%arg15 : memref<32x1024xf32, #tpu.memory_space<vmem>>) target_semaphore(%arg19 : memref<!tpu.dma_semaphore, #tpu.memory_space<semaphore_mem>>)
    tpu.enqueue_dma source(%arg3 : memref<2048xi32, #tpu.memory_space<hbm>>) target(%arg8 : memref<2048xi32, #tpu.memory_space<vmem>>) target_semaphore(%arg24 : memref<!tpu.dma_semaphore, #tpu.memory_space<semaphore_mem>>)
    tpu.enqueue_dma source(%arg4 : memref<32xi32, #tpu.memory_space<hbm>>) target(%arg9 : memref<32xi32, #tpu.memory_space<vmem>>) target_semaphore(%arg24 : memref<!tpu.dma_semaphore, #tpu.memory_space<semaphore_mem>>)
    tpu.enqueue_dma source(%arg5 : memref<16xi32, #tpu.memory_space<hbm>>) target(%arg10 : memref<16xi32, #tpu.memory_space<vmem>>) target_semaphore(%arg24 : memref<!tpu.dma_semaphore, #tpu.memory_space<semaphore_mem>>)
    tpu.enqueue_dma source(%arg6 : memref<16x1024xf32, #tpu.memory_space<hbm>>) target(%arg16 : memref<16x1024xf32, #tpu.memory_space<vmem>>) target_semaphore(%arg24 : memref<!tpu.dma_semaphore, #tpu.memory_space<semaphore_mem>>)
    tpu.wait_dma2 semaphore(%arg24 : memref<!tpu.dma_semaphore, #tpu.memory_space<semaphore_mem>>) src(%arg3 : memref<2048xi32, #tpu.memory_space<hbm>>) dst(%arg8 : memref<2048xi32, #tpu.memory_space<vmem>>)
    tpu.wait_dma2 semaphore(%arg24 : memref<!tpu.dma_semaphore, #tpu.memory_space<semaphore_mem>>) src(%arg4 : memref<32xi32, #tpu.memory_space<hbm>>) dst(%arg9 : memref<32xi32, #tpu.memory_space<vmem>>)
    tpu.wait_dma2 semaphore(%arg24 : memref<!tpu.dma_semaphore, #tpu.memory_space<semaphore_mem>>) src(%arg5 : memref<16xi32, #tpu.memory_space<hbm>>) dst(%arg10 : memref<16xi32, #tpu.memory_space<vmem>>)
    tpu.wait_dma2 semaphore(%arg24 : memref<!tpu.dma_semaphore, #tpu.memory_space<semaphore_mem>>) src(%arg6 : memref<16x1024xf32, #tpu.memory_space<hbm>>) dst(%arg16 : memref<16x1024xf32, #tpu.memory_space<vmem>>)
    %scan3A = arith.constant 0 : i32
    %scan3A_22 = arith.constant 0 : i32
    %scan3A_23 = arith.constant 30 : i32
    %scan3A_24 = arith.addi %scan3A_22, %scan3A_23 : i32
    %scan3A_25 = arith.constant 1 : i32
    scf.for %scan3A_65 = %scan3A_22 to %scan3A_24 step %scan3A_25  : i32 {
      %mul3A_66 = arith.constant 16 : i32
      %mul3A_67 = arith.muli %scan3A_65, %mul3A_66 : i32
      %add3A_68 = arith.addi %mul3A_4, %mul3A_67 : i32
      %add3A_69 = arith.constant 0 : i32
      %add3A_70 = arith.addi %add3A_68, %add3A_69 : i32
      %add3A_71 = vector.broadcast %add3A_70 : i32 to vector<16xi32>
      %add3A_72 = arith.addi %iota3A, %add3A_71 : vector<16xi32>
      %broadcast_in_dim3A = arith.constant 0 : i32
      %broadcast_in_dim3A_73 = vector.broadcast %broadcast_in_dim3A : i32 to vector<16xi32>
      %or3A = arith.constant 16 : i32
      %or3A_74 = vector.broadcast %or3A : i32 to vector<16xi32>
      %or3A_75 = arith.ori %broadcast_in_dim3A_73, %or3A_74 : vector<16xi32>
      %gather3A = tpu.vector_load_idx %arg9[%or3A_75] : memref<32xi32, #tpu.memory_space<vmem>>[vector<16xi32>], vector<16xi32>,
      %le3A = arith.cmpi sle, %gather3A, %add3A_72 : vector<16xi32>
      %select_n3A = arith.select %le3A, %or3A_75, %broadcast_in_dim3A_73 : vector<16xi1>, vector<16xi32>
      %or3A_76 = arith.constant 8 : i32
      %or3A_77 = vector.broadcast %or3A_76 : i32 to vector<16xi32>
      %or3A_78 = arith.ori %select_n3A, %or3A_77 : vector<16xi32>
      %gather3A_79 = tpu.vector_load_idx %arg9[%or3A_78] : memref<32xi32, #tpu.memory_space<vmem>>[vector<16xi32>], vector<16xi32>,
      %le3A_80 = arith.cmpi sle, %gather3A_79, %add3A_72 : vector<16xi32>
      %select_n3A_81 = arith.select %le3A_80, %or3A_78, %select_n3A : vector<16xi1>, vector<16xi32>
      %or3A_82 = arith.constant 4 : i32
      %or3A_83 = vector.broadcast %or3A_82 : i32 to vector<16xi32>
      %or3A_84 = arith.ori %select_n3A_81, %or3A_83 : vector<16xi32>
      %gather3A_85 = tpu.vector_load_idx %arg9[%or3A_84] : memref<32xi32, #tpu.memory_space<vmem>>[vector<16xi32>], vector<16xi32>,
      %le3A_86 = arith.cmpi sle, %gather3A_85, %add3A_72 : vector<16xi32>
      %select_n3A_87 = arith.select %le3A_86, %or3A_84, %select_n3A_81 : vector<16xi1>, vector<16xi32>
      %or3A_88 = arith.constant 2 : i32
      %or3A_89 = vector.broadcast %or3A_88 : i32 to vector<16xi32>
      %or3A_90 = arith.ori %select_n3A_87, %or3A_89 : vector<16xi32>
      %gather3A_91 = tpu.vector_load_idx %arg9[%or3A_90] : memref<32xi32, #tpu.memory_space<vmem>>[vector<16xi32>], vector<16xi32>,
      %le3A_92 = arith.cmpi sle, %gather3A_91, %add3A_72 : vector<16xi32>
      %select_n3A_93 = arith.select %le3A_92, %or3A_90, %select_n3A_87 : vector<16xi1>, vector<16xi32>
      %or3A_94 = arith.constant 1 : i32
      %or3A_95 = vector.broadcast %or3A_94 : i32 to vector<16xi32>
      %or3A_96 = arith.ori %select_n3A_93, %or3A_95 : vector<16xi32>
      %gather3A_97 = tpu.vector_load_idx %arg9[%or3A_96] : memref<32xi32, #tpu.memory_space<vmem>>[vector<16xi32>], vector<16xi32>,
      %le3A_98 = arith.cmpi sle, %gather3A_97, %add3A_72 : vector<16xi32>
      %select_n3A_99 = arith.select %le3A_98, %or3A_96, %select_n3A_93 : vector<16xi1>, vector<16xi32>
      %gather3A_100 = tpu.vector_load_idx %arg10[%select_n3A_99] : memref<16xi32, #tpu.memory_space<vmem>>[vector<16xi32>], vector<16xi32>,
      %gather3A_101 = tpu.vector_load_idx %arg9[%select_n3A_99] : memref<32xi32, #tpu.memory_space<vmem>>[vector<16xi32>], vector<16xi32>,
      %mul3A_102 = arith.constant 2048 : i32
      %mul3A_103 = vector.broadcast %mul3A_102 : i32 to vector<16xi32>
      %mul3A_104 = arith.muli %select_n3A_99, %mul3A_103 : vector<16xi32>
      %add3A_105 = arith.addi %mul3A_104, %gather3A_100 : vector<16xi32>
      %sub3A = arith.subi %add3A_72, %gather3A_101 : vector<16xi32>
      %add3A_106 = arith.addi %add3A_105, %sub3A : vector<16xi32>
      %swap3A = arith.index_cast %scan3A_65 : i32 to index
      %swap3A_107 = arith.constant 0 : index
      %swap3A_108 = tpu.vector_load %arg12[%swap3A, %swap3A_107] {strides = array<i32>} : memref<30x16xi32, #tpu.memory_space<vmem>>, vector<16xi32>,
      tpu.vector_store %arg12[%swap3A, %swap3A_107], %add3A_106 {strides = array<i32>} : memref<30x16xi32, #tpu.memory_space<vmem>>, vector<16xi32>,
      %dma_start3A_109 = arith.constant 0 : i32
      %dma_start3A_110 = tpu.memref_slice %arg12[%scan3A_65, %dma_start3A_109] : memref<30x16xi32, #tpu.memory_space<vmem>> -> memref<1x16xi32, #tpu.memory_space<vmem>>
      %dma_start3A_111 = tpu.memref_squeeze %dma_start3A_110 : memref<1x16xi32, #tpu.memory_space<vmem>> -> memref<16xi32, #tpu.memory_space<vmem>>
      %dma_start3A_112 = arith.constant 0 : i32
      %dma_start3A_113 = arith.constant 0 : i32
      %dma_start3A_114 = tpu.memref_slice %arg7[%dma_start3A_112, %dma_start3A_113] : memref<32768x1024xf32, #tpu.memory_space<hbm>> -> memref<32768x1024xf32, #tpu.memory_space<hbm>>
      tpu.enqueue_indirect_dma source(%arg16 : memref<16x1024xf32, #tpu.memory_space<vmem>>) target(%dma_start3A_114 : memref<32768x1024xf32, #tpu.memory_space<hbm>>) offsets(%dma_start3A_111 : memref<16xi32, #tpu.memory_space<vmem>>) semaphore(%arg23 : memref<!tpu.dma_semaphore, #tpu.memory_space<semaphore_mem>>)
    }
    %scan3A_26 = arith.constant 30 : i32
    %scan3A_27 = arith.constant 0 : i32
    %scan3A_28 = arith.constant 0 : i32
    %scan3A_29 = arith.constant 17 : i32
    %scan3A_30 = arith.addi %scan3A_28, %scan3A_29 : i32
    %scan3A_31 = arith.constant 1 : i32
    scf.for %scan3A_65 = %scan3A_28 to %scan3A_30 step %scan3A_31  : i32 {
      %mul3A_66 = arith.constant 32 : i32
      %mul3A_67 = arith.muli %scan3A_65, %mul3A_66 : i32
      %add3A_68 = arith.addi %mul3A_2, %mul3A_67 : i32
      %add3A_69 = arith.constant 0 : i32
      %add3A_70 = arith.addi %add3A_68, %add3A_69 : i32
      %add3A_71 = vector.broadcast %add3A_70 : i32 to vector<16xi32>
      %add3A_72 = arith.addi %iota3A, %add3A_71 : vector<16xi32>
      %broadcast_in_dim3A = arith.constant 0 : i32
      %broadcast_in_dim3A_73 = vector.broadcast %broadcast_in_dim3A : i32 to vector<16xi32>
      %or3A = arith.constant 1024 : i32
      %or3A_74 = vector.broadcast %or3A : i32 to vector<16xi32>
      %or3A_75 = arith.ori %broadcast_in_dim3A_73, %or3A_74 : vector<16xi32>
      %gather3A = tpu.vector_load_idx %arg8[%or3A_75] : memref<2048xi32, #tpu.memory_space<vmem>>[vector<16xi32>], vector<16xi32>,
      %le3A = arith.cmpi sle, %gather3A, %add3A_72 : vector<16xi32>
      %select_n3A = arith.select %le3A, %or3A_75, %broadcast_in_dim3A_73 : vector<16xi1>, vector<16xi32>
      %or3A_76 = arith.constant 512 : i32
      %or3A_77 = vector.broadcast %or3A_76 : i32 to vector<16xi32>
      %or3A_78 = arith.ori %select_n3A, %or3A_77 : vector<16xi32>
      %gather3A_79 = tpu.vector_load_idx %arg8[%or3A_78] : memref<2048xi32, #tpu.memory_space<vmem>>[vector<16xi32>], vector<16xi32>,
      %le3A_80 = arith.cmpi sle, %gather3A_79, %add3A_72 : vector<16xi32>
      %select_n3A_81 = arith.select %le3A_80, %or3A_78, %select_n3A : vector<16xi1>, vector<16xi32>
      %or3A_82 = arith.constant 256 : i32
      %or3A_83 = vector.broadcast %or3A_82 : i32 to vector<16xi32>
      %or3A_84 = arith.ori %select_n3A_81, %or3A_83 : vector<16xi32>
      %gather3A_85 = tpu.vector_load_idx %arg8[%or3A_84] : memref<2048xi32, #tpu.memory_space<vmem>>[vector<16xi32>], vector<16xi32>,
      %le3A_86 = arith.cmpi sle, %gather3A_85, %add3A_72 : vector<16xi32>
      %select_n3A_87 = arith.select %le3A_86, %or3A_84, %select_n3A_81 : vector<16xi1>, vector<16xi32>
      %or3A_88 = arith.constant 128 : i32
      %or3A_89 = vector.broadcast %or3A_88 : i32 to vector<16xi32>
      %or3A_90 = arith.ori %select_n3A_87, %or3A_89 : vector<16xi32>
      %gather3A_91 = tpu.vector_load_idx %arg8[%or3A_90] : memref<2048xi32, #tpu.memory_space<vmem>>[vector<16xi32>], vector<16xi32>,
      %le3A_92 = arith.cmpi sle, %gather3A_91, %add3A_72 : vector<16xi32>
      %select_n3A_93 = arith.select %le3A_92, %or3A_90, %select_n3A_87 : vector<16xi1>, vector<16xi32>
      %or3A_94 = arith.constant 64 : i32
      %or3A_95 = vector.broadcast %or3A_94 : i32 to vector<16xi32>
      %or3A_96 = arith.ori %select_n3A_93, %or3A_95 : vector<16xi32>
      %gather3A_97 = tpu.vector_load_idx %arg8[%or3A_96] : memref<2048xi32, #tpu.memory_space<vmem>>[vector<16xi32>], vector<16xi32>,
      %le3A_98 = arith.cmpi sle, %gather3A_97, %add3A_72 : vector<16xi32>
      %select_n3A_99 = arith.select %le3A_98, %or3A_96, %select_n3A_93 : vector<16xi1>, vector<16xi32>
      %or3A_100 = arith.constant 32 : i32
      %or3A_101 = vector.broadcast %or3A_100 : i32 to vector<16xi32>
      %or3A_102 = arith.ori %select_n3A_99, %or3A_101 : vector<16xi32>
      %gather3A_103 = tpu.vector_load_idx %arg8[%or3A_102] : memref<2048xi32, #tpu.memory_space<vmem>>[vector<16xi32>], vector<16xi32>,
      %le3A_104 = arith.cmpi sle, %gather3A_103, %add3A_72 : vector<16xi32>
      %select_n3A_105 = arith.select %le3A_104, %or3A_102, %select_n3A_99 : vector<16xi1>, vector<16xi32>
      %or3A_106 = arith.constant 16 : i32
      %or3A_107 = vector.broadcast %or3A_106 : i32 to vector<16xi32>
      %or3A_108 = arith.ori %select_n3A_105, %or3A_107 : vector<16xi32>
      %gather3A_109 = tpu.vector_load_idx %arg8[%or3A_108] : memref<2048xi32, #tpu.memory_space<vmem>>[vector<16xi32>], vector<16xi32>,
      %le3A_110 = arith.cmpi sle, %gather3A_109, %add3A_72 : vector<16xi32>
      %select_n3A_111 = arith.select %le3A_110, %or3A_108, %select_n3A_105 : vector<16xi1>, vector<16xi32>
      %or3A_112 = arith.constant 8 : i32
      %or3A_113 = vector.broadcast %or3A_112 : i32 to vector<16xi32>
      %or3A_114 = arith.ori %select_n3A_111, %or3A_113 : vector<16xi32>
      %gather3A_115 = tpu.vector_load_idx %arg8[%or3A_114] : memref<2048xi32, #tpu.memory_space<vmem>>[vector<16xi32>], vector<16xi32>,
      %le3A_116 = arith.cmpi sle, %gather3A_115, %add3A_72 : vector<16xi32>
      %select_n3A_117 = arith.select %le3A_116, %or3A_114, %select_n3A_111 : vector<16xi1>, vector<16xi32>
      %or3A_118 = arith.constant 4 : i32
      %or3A_119 = vector.broadcast %or3A_118 : i32 to vector<16xi32>
      %or3A_120 = arith.ori %select_n3A_117, %or3A_119 : vector<16xi32>
      %gather3A_121 = tpu.vector_load_idx %arg8[%or3A_120] : memref<2048xi32, #tpu.memory_space<vmem>>[vector<16xi32>], vector<16xi32>,
      %le3A_122 = arith.cmpi sle, %gather3A_121, %add3A_72 : vector<16xi32>
      %select_n3A_123 = arith.select %le3A_122, %or3A_120, %select_n3A_117 : vector<16xi1>, vector<16xi32>
      %or3A_124 = arith.constant 2 : i32
      %or3A_125 = vector.broadcast %or3A_124 : i32 to vector<16xi32>
      %or3A_126 = arith.ori %select_n3A_123, %or3A_125 : vector<16xi32>
      %gather3A_127 = tpu.vector_load_idx %arg8[%or3A_126] : memref<2048xi32, #tpu.memory_space<vmem>>[vector<16xi32>], vector<16xi32>,
      %le3A_128 = arith.cmpi sle, %gather3A_127, %add3A_72 : vector<16xi32>
      %select_n3A_129 = arith.select %le3A_128, %or3A_126, %select_n3A_123 : vector<16xi1>, vector<16xi32>
      %or3A_130 = arith.constant 1 : i32
      %or3A_131 = vector.broadcast %or3A_130 : i32 to vector<16xi32>
      %or3A_132 = arith.ori %select_n3A_129, %or3A_131 : vector<16xi32>
      %gather3A_133 = tpu.vector_load_idx %arg8[%or3A_132] : memref<2048xi32, #tpu.memory_space<vmem>>[vector<16xi32>], vector<16xi32>,
      %le3A_134 = arith.cmpi sle, %gather3A_133, %add3A_72 : vector<16xi32>
      %select_n3A_135 = arith.select %le3A_134, %or3A_132, %select_n3A_129 : vector<16xi1>, vector<16xi32>
      %gather3A_136 = tpu.vector_load_idx %arg8[%select_n3A_135] : memref<2048xi32, #tpu.memory_space<vmem>>[vector<16xi32>], vector<16xi32>,
      %sub3A = arith.subi %add3A_72, %gather3A_136 : vector<16xi32>
      %mul3A_137 = arith.constant 2048 : i32
      %mul3A_138 = vector.broadcast %mul3A_137 : i32 to vector<16xi32>
      %mul3A_139 = arith.muli %sub3A, %mul3A_138 : vector<16xi32>
      %add3A_140 = arith.addi %mul3A_139, %select_n3A_135 : vector<16xi32>
      %swap3A = arith.index_cast %scan3A_65 : i32 to index
      %swap3A_141 = arith.constant 0 : index
      %swap3A_142 = tpu.vector_load %arg11[%swap3A, %swap3A_141] {strides = array<i32>} : memref<17x32xi32, #tpu.memory_space<vmem>>, vector<16xi32>,
      tpu.vector_store %arg11[%swap3A, %swap3A_141], %add3A_140 {strides = array<i32>} : memref<17x32xi32, #tpu.memory_space<vmem>>, vector<16xi32>,
      %mul3A_143 = arith.constant 32 : i32
      %mul3A_144 = arith.muli %scan3A_65, %mul3A_143 : i32
      %add3A_145 = arith.addi %mul3A_2, %mul3A_144 : i32
      %add3A_146 = arith.constant 16 : i32
      %add3A_147 = arith.addi %add3A_145, %add3A_146 : i32
      %add3A_148 = vector.broadcast %add3A_147 : i32 to vector<16xi32>
      %add3A_149 = arith.addi %iota3A, %add3A_148 : vector<16xi32>
      %broadcast_in_dim3A_150 = arith.constant 0 : i32
      %broadcast_in_dim3A_151 = vector.broadcast %broadcast_in_dim3A_150 : i32 to vector<16xi32>
      %or3A_152 = arith.constant 1024 : i32
      %or3A_153 = vector.broadcast %or3A_152 : i32 to vector<16xi32>
      %or3A_154 = arith.ori %broadcast_in_dim3A_151, %or3A_153 : vector<16xi32>
      %gather3A_155 = tpu.vector_load_idx %arg8[%or3A_154] : memref<2048xi32, #tpu.memory_space<vmem>>[vector<16xi32>], vector<16xi32>,
      %le3A_156 = arith.cmpi sle, %gather3A_155, %add3A_149 : vector<16xi32>
      %select_n3A_157 = arith.select %le3A_156, %or3A_154, %broadcast_in_dim3A_151 : vector<16xi1>, vector<16xi32>
      %or3A_158 = arith.constant 512 : i32
      %or3A_159 = vector.broadcast %or3A_158 : i32 to vector<16xi32>
      %or3A_160 = arith.ori %select_n3A_157, %or3A_159 : vector<16xi32>
      %gather3A_161 = tpu.vector_load_idx %arg8[%or3A_160] : memref<2048xi32, #tpu.memory_space<vmem>>[vector<16xi32>], vector<16xi32>,
      %le3A_162 = arith.cmpi sle, %gather3A_161, %add3A_149 : vector<16xi32>
      %select_n3A_163 = arith.select %le3A_162, %or3A_160, %select_n3A_157 : vector<16xi1>, vector<16xi32>
      %or3A_164 = arith.constant 256 : i32
      %or3A_165 = vector.broadcast %or3A_164 : i32 to vector<16xi32>
      %or3A_166 = arith.ori %select_n3A_163, %or3A_165 : vector<16xi32>
      %gather3A_167 = tpu.vector_load_idx %arg8[%or3A_166] : memref<2048xi32, #tpu.memory_space<vmem>>[vector<16xi32>], vector<16xi32>,
      %le3A_168 = arith.cmpi sle, %gather3A_167, %add3A_149 : vector<16xi32>
      %select_n3A_169 = arith.select %le3A_168, %or3A_166, %select_n3A_163 : vector<16xi1>, vector<16xi32>
      %or3A_170 = arith.constant 128 : i32
      %or3A_171 = vector.broadcast %or3A_170 : i32 to vector<16xi32>
      %or3A_172 = arith.ori %select_n3A_169, %or3A_171 : vector<16xi32>
      %gather3A_173 = tpu.vector_load_idx %arg8[%or3A_172] : memref<2048xi32, #tpu.memory_space<vmem>>[vector<16xi32>], vector<16xi32>,
      %le3A_174 = arith.cmpi sle, %gather3A_173, %add3A_149 : vector<16xi32>
      %select_n3A_175 = arith.select %le3A_174, %or3A_172, %select_n3A_169 : vector<16xi1>, vector<16xi32>
      %or3A_176 = arith.constant 64 : i32
      %or3A_177 = vector.broadcast %or3A_176 : i32 to vector<16xi32>
      %or3A_178 = arith.ori %select_n3A_175, %or3A_177 : vector<16xi32>
      %gather3A_179 = tpu.vector_load_idx %arg8[%or3A_178] : memref<2048xi32, #tpu.memory_space<vmem>>[vector<16xi32>], vector<16xi32>,
      %le3A_180 = arith.cmpi sle, %gather3A_179, %add3A_149 : vector<16xi32>
      %select_n3A_181 = arith.select %le3A_180, %or3A_178, %select_n3A_175 : vector<16xi1>, vector<16xi32>
      %or3A_182 = arith.constant 32 : i32
      %or3A_183 = vector.broadcast %or3A_182 : i32 to vector<16xi32>
      %or3A_184 = arith.ori %select_n3A_181, %or3A_183 : vector<16xi32>
      %gather3A_185 = tpu.vector_load_idx %arg8[%or3A_184] : memref<2048xi32, #tpu.memory_space<vmem>>[vector<16xi32>], vector<16xi32>,
      %le3A_186 = arith.cmpi sle, %gather3A_185, %add3A_149 : vector<16xi32>
      %select_n3A_187 = arith.select %le3A_186, %or3A_184, %select_n3A_181 : vector<16xi1>, vector<16xi32>
      %or3A_188 = arith.constant 16 : i32
      %or3A_189 = vector.broadcast %or3A_188 : i32 to vector<16xi32>
      %or3A_190 = arith.ori %select_n3A_187, %or3A_189 : vector<16xi32>
      %gather3A_191 = tpu.vector_load_idx %arg8[%or3A_190] : memref<2048xi32, #tpu.memory_space<vmem>>[vector<16xi32>], vector<16xi32>,
      %le3A_192 = arith.cmpi sle, %gather3A_191, %add3A_149 : vector<16xi32>
      %select_n3A_193 = arith.select %le3A_192, %or3A_190, %select_n3A_187 : vector<16xi1>, vector<16xi32>
      %or3A_194 = arith.constant 8 : i32
      %or3A_195 = vector.broadcast %or3A_194 : i32 to vector<16xi32>
      %or3A_196 = arith.ori %select_n3A_193, %or3A_195 : vector<16xi32>
      %gather3A_197 = tpu.vector_load_idx %arg8[%or3A_196] : memref<2048xi32, #tpu.memory_space<vmem>>[vector<16xi32>], vector<16xi32>,
      %le3A_198 = arith.cmpi sle, %gather3A_197, %add3A_149 : vector<16xi32>
      %select_n3A_199 = arith.select %le3A_198, %or3A_196, %select_n3A_193 : vector<16xi1>, vector<16xi32>
      %or3A_200 = arith.constant 4 : i32
      %or3A_201 = vector.broadcast %or3A_200 : i32 to vector<16xi32>
      %or3A_202 = arith.ori %select_n3A_199, %or3A_201 : vector<16xi32>
      %gather3A_203 = tpu.vector_load_idx %arg8[%or3A_202] : memref<2048xi32, #tpu.memory_space<vmem>>[vector<16xi32>], vector<16xi32>,
      %le3A_204 = arith.cmpi sle, %gather3A_203, %add3A_149 : vector<16xi32>
      %select_n3A_205 = arith.select %le3A_204, %or3A_202, %select_n3A_199 : vector<16xi1>, vector<16xi32>
      %or3A_206 = arith.constant 2 : i32
      %or3A_207 = vector.broadcast %or3A_206 : i32 to vector<16xi32>
      %or3A_208 = arith.ori %select_n3A_205, %or3A_207 : vector<16xi32>
      %gather3A_209 = tpu.vector_load_idx %arg8[%or3A_208] : memref<2048xi32, #tpu.memory_space<vmem>>[vector<16xi32>], vector<16xi32>,
      %le3A_210 = arith.cmpi sle, %gather3A_209, %add3A_149 : vector<16xi32>
      %select_n3A_211 = arith.select %le3A_210, %or3A_208, %select_n3A_205 : vector<16xi1>, vector<16xi32>
      %or3A_212 = arith.constant 1 : i32
      %or3A_213 = vector.broadcast %or3A_212 : i32 to vector<16xi32>
      %or3A_214 = arith.ori %select_n3A_211, %or3A_213 : vector<16xi32>
      %gather3A_215 = tpu.vector_load_idx %arg8[%or3A_214] : memref<2048xi32, #tpu.memory_space<vmem>>[vector<16xi32>], vector<16xi32>,
      %le3A_216 = arith.cmpi sle, %gather3A_215, %add3A_149 : vector<16xi32>
      %select_n3A_217 = arith.select %le3A_216, %or3A_214, %select_n3A_211 : vector<16xi1>, vector<16xi32>
      %gather3A_218 = tpu.vector_load_idx %arg8[%select_n3A_217] : memref<2048xi32, #tpu.memory_space<vmem>>[vector<16xi32>], vector<16xi32>,
      %sub3A_219 = arith.subi %add3A_149, %gather3A_218 : vector<16xi32>
      %mul3A_220 = arith.constant 2048 : i32
      %mul3A_221 = vector.broadcast %mul3A_220 : i32 to vector<16xi32>
      %mul3A_222 = arith.muli %sub3A_219, %mul3A_221 : vector<16xi32>
      %add3A_223 = arith.addi %mul3A_222, %select_n3A_217 : vector<16xi32>
      %swap3A_224 = arith.index_cast %scan3A_65 : i32 to index
      %swap3A_225 = arith.constant 16 : index
      %swap3A_226 = tpu.vector_load %arg11[%swap3A_224, %swap3A_225] {strides = array<i32>} : memref<17x32xi32, #tpu.memory_space<vmem>>, vector<16xi32>,
      tpu.vector_store %arg11[%swap3A_224, %swap3A_225], %add3A_223 {strides = array<i32>} : memref<17x32xi32, #tpu.memory_space<vmem>>, vector<16xi32>,
    }
    %scan3A_32 = arith.constant 17 : i32
    %scan3A_33 = arith.constant 0 : i32
    %scan3A_34 = arith.constant 0 : i32
    %scan3A_35 = arith.constant 17 : i32
    %scan3A_36 = arith.addi %scan3A_34, %scan3A_35 : i32
    %scan3A_37 = arith.constant 1 : i32
    scf.for %scan3A_65 = %scan3A_34 to %scan3A_36 step %scan3A_37  : i32 {
      %jit3A = arith.constant 3 : i32
      %eq3A = arith.constant 0 : i32
      %eq3A_66 = arith.cmpi eq, %jit3A, %eq3A : i32
      %jit3A_67 = arith.constant 1 : i32
      %select_n3A = arith.select %eq3A_66, %jit3A_67, %jit3A : i32
      %rem3A = arith.remsi %scan3A_65, %select_n3A : i32
      %ne3A = arith.constant 0 : i32
      %ne3A_68 = arith.cmpi ne, %rem3A, %ne3A : i32
      %lt3A = arith.constant 0 : i32
      %lt3A_69 = arith.cmpi slt, %rem3A, %lt3A : i32
      %lt3A_70 = arith.constant 0 : i32
      %lt3A_71 = arith.cmpi slt, %select_n3A, %lt3A_70 : i32
      %ne3A_72 = arith.xori %lt3A_69, %lt3A_71 : i1
      %and3A = arith.andi %ne3A_72, %ne3A_68 : i1
      %add3A_73 = arith.addi %rem3A, %select_n3A : i32
      %select_n3A_74 = arith.select %and3A, %add3A_73, %rem3A : i32
      %eq3A_75 = arith.constant 0 : i32
      %eq3A_76 = arith.cmpi eq, %select_n3A_74, %eq3A_75 : i32
      %convert_element_type3A = arith.extui %eq3A_76 : i1 to i32
      %cond3A = arith.constant 0 : i32
      %cond3A_77 = arith.cmpi ne, %convert_element_type3A, %cond3A : i32
      scf.if %cond3A_77 {
        %mul3A_120 = arith.constant 32 : i32
        %mul3A_121 = arith.muli %scan3A_65, %mul3A_120 : i32
        %add3A_122 = arith.addi %mul3A_2, %mul3A_121 : i32
        %dma_wait3A_123 = arith.constant 0 : i32
        %dma_wait3A_124 = tpu.memref_slice %arg2[%add3A_122, %dma_wait3A_123] : memref<17408x1024xf32, #tpu.memory_space<hbm>> -> memref<32x1024xf32, #tpu.memory_space<hbm>>
        %dma_wait3A_125 = arith.constant 0 : i32
        %dma_wait3A_126 = tpu.memref_slice %arg2[%add3A_122, %dma_wait3A_125] : memref<17408x1024xf32, #tpu.memory_space<hbm>> -> memref<32x1024xf32, #tpu.memory_space<hbm>>
        tpu.wait_dma2 semaphore(%arg17 : memref<!tpu.dma_semaphore, #tpu.memory_space<semaphore_mem>>) src(%dma_wait3A_126 : memref<32x1024xf32, #tpu.memory_space<hbm>>) dst(%arg13 : memref<32x1024xf32, #tpu.memory_space<vmem>>)
        %dma_start3A_127 = arith.constant 0 : i32
        %dma_start3A_128 = tpu.memref_slice %arg11[%scan3A_65, %dma_start3A_127] : memref<17x32xi32, #tpu.memory_space<vmem>> -> memref<1x32xi32, #tpu.memory_space<vmem>>
        %dma_start3A_129 = tpu.memref_squeeze %dma_start3A_128 : memref<1x32xi32, #tpu.memory_space<vmem>> -> memref<32xi32, #tpu.memory_space<vmem>>
        %dma_start3A_130 = arith.constant 0 : i32
        %dma_start3A_131 = arith.constant 0 : i32
        %dma_start3A_132 = tpu.memref_slice %arg7[%dma_start3A_130, %dma_start3A_131] : memref<32768x1024xf32, #tpu.memory_space<hbm>> -> memref<32768x1024xf32, #tpu.memory_space<hbm>>
        tpu.enqueue_indirect_dma source(%arg13 : memref<32x1024xf32, #tpu.memory_space<vmem>>) target(%dma_start3A_132 : memref<32768x1024xf32, #tpu.memory_space<hbm>>) offsets(%dma_start3A_129 : memref<32xi32, #tpu.memory_space<vmem>>) semaphore(%arg20 : memref<!tpu.dma_semaphore, #tpu.memory_space<semaphore_mem>>)
        %add3A_133 = arith.constant 1 : i32
        %add3A_134 = arith.addi %scan3A_65, %add3A_133 : i32
        %lt3A_135 = arith.constant 17 : i32
        %lt3A_136 = arith.cmpi slt, %add3A_134, %lt3A_135 : i32
        %convert_element_type3A_137 = arith.extui %lt3A_136 : i1 to i32
        %cond3A_138 = arith.constant 0 : i32
        %cond3A_139 = arith.cmpi ne, %convert_element_type3A_137, %cond3A_138 : i32
        scf.if %cond3A_139 {
          %ge3A = arith.constant 2 : i32
          %ge3A_140 = arith.cmpi sge, %scan3A_65, %ge3A : i32
          %convert_element_type3A_141 = arith.extui %ge3A_140 : i1 to i32
          %cond3A_142 = arith.constant 0 : i32
          %cond3A_143 = arith.cmpi ne, %convert_element_type3A_141, %cond3A_142 : i32
          scf.if %cond3A_143 {
            %sub3A = arith.constant 2 : i32
            %sub3A_144 = arith.subi %scan3A_65, %sub3A : i32
            %dma_wait3A_145 = arith.constant 0 : i32
            %dma_wait3A_146 = tpu.memref_slice %arg11[%sub3A_144, %dma_wait3A_145] : memref<17x32xi32, #tpu.memory_space<vmem>> -> memref<1x32xi32, #tpu.memory_space<vmem>>
            %dma_wait3A_147 = tpu.memref_squeeze %dma_wait3A_146 : memref<1x32xi32, #tpu.memory_space<vmem>> -> memref<32xi32, #tpu.memory_space<vmem>>
            %dma_wait3A_148 = arith.constant 0 : i32
            %dma_wait3A_149 = arith.constant 0 : i32
            %dma_wait3A_150 = tpu.memref_slice %arg7[%dma_wait3A_148, %dma_wait3A_149] : memref<32768x1024xf32, #tpu.memory_space<hbm>> -> memref<32768x1024xf32, #tpu.memory_space<hbm>>
            tpu.wait_indirect_dma semaphore(%arg21 : memref<!tpu.dma_semaphore, #tpu.memory_space<semaphore_mem>>) src(%arg14 : memref<32x1024xf32, #tpu.memory_space<vmem>>) dst(%dma_wait3A_150 : memref<32768x1024xf32, #tpu.memory_space<hbm>>)
            %add3A_151 = arith.constant 1 : i32
            %add3A_152 = arith.addi %scan3A_65, %add3A_151 : i32
            %mul3A_153 = arith.constant 32 : i32
            %mul3A_154 = arith.muli %add3A_152, %mul3A_153 : i32
            %add3A_155 = arith.addi %mul3A_2, %mul3A_154 : i32
            %dma_start3A_156 = arith.constant 0 : i32
            %dma_start3A_157 = tpu.memref_slice %arg2[%add3A_155, %dma_start3A_156] : memref<17408x1024xf32, #tpu.memory_space<hbm>> -> memref<32x1024xf32, #tpu.memory_space<hbm>>
            %dma_start3A_158 = arith.constant 0 : i32
            %dma_start3A_159 = tpu.memref_slice %arg2[%add3A_155, %dma_start3A_158] : memref<17408x1024xf32, #tpu.memory_space<hbm>> -> memref<32x1024xf32, #tpu.memory_space<hbm>>
            tpu.enqueue_dma source(%dma_start3A_159 : memref<32x1024xf32, #tpu.memory_space<hbm>>) target(%arg14 : memref<32x1024xf32, #tpu.memory_space<vmem>>) target_semaphore(%arg18 : memref<!tpu.dma_semaphore, #tpu.memory_space<semaphore_mem>>)
          } else {
          }
        } else {
        }
      } else {
      }
      %jit3A_78 = arith.constant 3 : i32
      %eq3A_79 = arith.constant 0 : i32
      %eq3A_80 = arith.cmpi eq, %jit3A_78, %eq3A_79 : i32
      %jit3A_81 = arith.constant 1 : i32
      %select_n3A_82 = arith.select %eq3A_80, %jit3A_81, %jit3A_78 : i32
      %rem3A_83 = arith.remsi %scan3A_65, %select_n3A_82 : i32
      %ne3A_84 = arith.constant 0 : i32
      %ne3A_85 = arith.cmpi ne, %rem3A_83, %ne3A_84 : i32
      %lt3A_86 = arith.constant 0 : i32
      %lt3A_87 = arith.cmpi slt, %rem3A_83, %lt3A_86 : i32
      %lt3A_88 = arith.constant 0 : i32
      %lt3A_89 = arith.cmpi slt, %select_n3A_82, %lt3A_88 : i32
      %ne3A_90 = arith.xori %lt3A_87, %lt3A_89 : i1
      %and3A_91 = arith.andi %ne3A_90, %ne3A_85 : i1
      %add3A_92 = arith.addi %rem3A_83, %select_n3A_82 : i32
      %select_n3A_93 = arith.select %and3A_91, %add3A_92, %rem3A_83 : i32
      %eq3A_94 = arith.constant 1 : i32
      %eq3A_95 = arith.cmpi eq, %select_n3A_93, %eq3A_94 : i32
      %convert_element_type3A_96 = arith.extui %eq3A_95 : i1 to i32
      %cond3A_97 = arith.constant 0 : i32
      %cond3A_98 = arith.cmpi ne, %convert_element_type3A_96, %cond3A_97 : i32
      scf.if %cond3A_98 {
        %mul3A_120 = arith.constant 32 : i32
        %mul3A_121 = arith.muli %scan3A_65, %mul3A_120 : i32
        %add3A_122 = arith.addi %mul3A_2, %mul3A_121 : i32
        %dma_wait3A_123 = arith.constant 0 : i32
        %dma_wait3A_124 = tpu.memref_slice %arg2[%add3A_122, %dma_wait3A_123] : memref<17408x1024xf32, #tpu.memory_space<hbm>> -> memref<32x1024xf32, #tpu.memory_space<hbm>>
        %dma_wait3A_125 = arith.constant 0 : i32
        %dma_wait3A_126 = tpu.memref_slice %arg2[%add3A_122, %dma_wait3A_125] : memref<17408x1024xf32, #tpu.memory_space<hbm>> -> memref<32x1024xf32, #tpu.memory_space<hbm>>
        tpu.wait_dma2 semaphore(%arg18 : memref<!tpu.dma_semaphore, #tpu.memory_space<semaphore_mem>>) src(%dma_wait3A_126 : memref<32x1024xf32, #tpu.memory_space<hbm>>) dst(%arg14 : memref<32x1024xf32, #tpu.memory_space<vmem>>)
        %dma_start3A_127 = arith.constant 0 : i32
        %dma_start3A_128 = tpu.memref_slice %arg11[%scan3A_65, %dma_start3A_127] : memref<17x32xi32, #tpu.memory_space<vmem>> -> memref<1x32xi32, #tpu.memory_space<vmem>>
        %dma_start3A_129 = tpu.memref_squeeze %dma_start3A_128 : memref<1x32xi32, #tpu.memory_space<vmem>> -> memref<32xi32, #tpu.memory_space<vmem>>
        %dma_start3A_130 = arith.constant 0 : i32
        %dma_start3A_131 = arith.constant 0 : i32
        %dma_start3A_132 = tpu.memref_slice %arg7[%dma_start3A_130, %dma_start3A_131] : memref<32768x1024xf32, #tpu.memory_space<hbm>> -> memref<32768x1024xf32, #tpu.memory_space<hbm>>
        tpu.enqueue_indirect_dma source(%arg14 : memref<32x1024xf32, #tpu.memory_space<vmem>>) target(%dma_start3A_132 : memref<32768x1024xf32, #tpu.memory_space<hbm>>) offsets(%dma_start3A_129 : memref<32xi32, #tpu.memory_space<vmem>>) semaphore(%arg21 : memref<!tpu.dma_semaphore, #tpu.memory_space<semaphore_mem>>)
        %add3A_133 = arith.constant 1 : i32
        %add3A_134 = arith.addi %scan3A_65, %add3A_133 : i32
        %lt3A_135 = arith.constant 17 : i32
        %lt3A_136 = arith.cmpi slt, %add3A_134, %lt3A_135 : i32
        %convert_element_type3A_137 = arith.extui %lt3A_136 : i1 to i32
        %cond3A_138 = arith.constant 0 : i32
        %cond3A_139 = arith.cmpi ne, %convert_element_type3A_137, %cond3A_138 : i32
        scf.if %cond3A_139 {
          %ge3A = arith.constant 2 : i32
          %ge3A_140 = arith.cmpi sge, %scan3A_65, %ge3A : i32
          %convert_element_type3A_141 = arith.extui %ge3A_140 : i1 to i32
          %cond3A_142 = arith.constant 0 : i32
          %cond3A_143 = arith.cmpi ne, %convert_element_type3A_141, %cond3A_142 : i32
          scf.if %cond3A_143 {
            %sub3A = arith.constant 2 : i32
            %sub3A_144 = arith.subi %scan3A_65, %sub3A : i32
            %dma_wait3A_145 = arith.constant 0 : i32
            %dma_wait3A_146 = tpu.memref_slice %arg11[%sub3A_144, %dma_wait3A_145] : memref<17x32xi32, #tpu.memory_space<vmem>> -> memref<1x32xi32, #tpu.memory_space<vmem>>
            %dma_wait3A_147 = tpu.memref_squeeze %dma_wait3A_146 : memref<1x32xi32, #tpu.memory_space<vmem>> -> memref<32xi32, #tpu.memory_space<vmem>>
            %dma_wait3A_148 = arith.constant 0 : i32
            %dma_wait3A_149 = arith.constant 0 : i32
            %dma_wait3A_150 = tpu.memref_slice %arg7[%dma_wait3A_148, %dma_wait3A_149] : memref<32768x1024xf32, #tpu.memory_space<hbm>> -> memref<32768x1024xf32, #tpu.memory_space<hbm>>
            tpu.wait_indirect_dma semaphore(%arg22 : memref<!tpu.dma_semaphore, #tpu.memory_space<semaphore_mem>>) src(%arg15 : memref<32x1024xf32, #tpu.memory_space<vmem>>) dst(%dma_wait3A_150 : memref<32768x1024xf32, #tpu.memory_space<hbm>>)
            %add3A_151 = arith.constant 1 : i32
            %add3A_152 = arith.addi %scan3A_65, %add3A_151 : i32
            %mul3A_153 = arith.constant 32 : i32
            %mul3A_154 = arith.muli %add3A_152, %mul3A_153 : i32
            %add3A_155 = arith.addi %mul3A_2, %mul3A_154 : i32
            %dma_start3A_156 = arith.constant 0 : i32
            %dma_start3A_157 = tpu.memref_slice %arg2[%add3A_155, %dma_start3A_156] : memref<17408x1024xf32, #tpu.memory_space<hbm>> -> memref<32x1024xf32, #tpu.memory_space<hbm>>
            %dma_start3A_158 = arith.constant 0 : i32
            %dma_start3A_159 = tpu.memref_slice %arg2[%add3A_155, %dma_start3A_158] : memref<17408x1024xf32, #tpu.memory_space<hbm>> -> memref<32x1024xf32, #tpu.memory_space<hbm>>
            tpu.enqueue_dma source(%dma_start3A_159 : memref<32x1024xf32, #tpu.memory_space<hbm>>) target(%arg15 : memref<32x1024xf32, #tpu.memory_space<vmem>>) target_semaphore(%arg19 : memref<!tpu.dma_semaphore, #tpu.memory_space<semaphore_mem>>)
          } else {
          }
        } else {
        }
      } else {
      }
      %jit3A_99 = arith.constant 3 : i32
      %eq3A_100 = arith.constant 0 : i32
      %eq3A_101 = arith.cmpi eq, %jit3A_99, %eq3A_100 : i32
      %jit3A_102 = arith.constant 1 : i32
      %select_n3A_103 = arith.select %eq3A_101, %jit3A_102, %jit3A_99 : i32
      %rem3A_104 = arith.remsi %scan3A_65, %select_n3A_103 : i32
      %ne3A_105 = arith.constant 0 : i32
      %ne3A_106 = arith.cmpi ne, %rem3A_104, %ne3A_105 : i32
      %lt3A_107 = arith.constant 0 : i32
      %lt3A_108 = arith.cmpi slt, %rem3A_104, %lt3A_107 : i32
      %lt3A_109 = arith.constant 0 : i32
      %lt3A_110 = arith.cmpi slt, %select_n3A_103, %lt3A_109 : i32
      %ne3A_111 = arith.xori %lt3A_108, %lt3A_110 : i1
      %and3A_112 = arith.andi %ne3A_111, %ne3A_106 : i1
      %add3A_113 = arith.addi %rem3A_104, %select_n3A_103 : i32
      %select_n3A_114 = arith.select %and3A_112, %add3A_113, %rem3A_104 : i32
      %eq3A_115 = arith.constant 2 : i32
      %eq3A_116 = arith.cmpi eq, %select_n3A_114, %eq3A_115 : i32
      %convert_element_type3A_117 = arith.extui %eq3A_116 : i1 to i32
      %cond3A_118 = arith.constant 0 : i32
      %cond3A_119 = arith.cmpi ne, %convert_element_type3A_117, %cond3A_118 : i32
      scf.if %cond3A_119 {
        %mul3A_120 = arith.constant 32 : i32
        %mul3A_121 = arith.muli %scan3A_65, %mul3A_120 : i32
        %add3A_122 = arith.addi %mul3A_2, %mul3A_121 : i32
        %dma_wait3A_123 = arith.constant 0 : i32
        %dma_wait3A_124 = tpu.memref_slice %arg2[%add3A_122, %dma_wait3A_123] : memref<17408x1024xf32, #tpu.memory_space<hbm>> -> memref<32x1024xf32, #tpu.memory_space<hbm>>
        %dma_wait3A_125 = arith.constant 0 : i32
        %dma_wait3A_126 = tpu.memref_slice %arg2[%add3A_122, %dma_wait3A_125] : memref<17408x1024xf32, #tpu.memory_space<hbm>> -> memref<32x1024xf32, #tpu.memory_space<hbm>>
        tpu.wait_dma2 semaphore(%arg19 : memref<!tpu.dma_semaphore, #tpu.memory_space<semaphore_mem>>) src(%dma_wait3A_126 : memref<32x1024xf32, #tpu.memory_space<hbm>>) dst(%arg15 : memref<32x1024xf32, #tpu.memory_space<vmem>>)
        %dma_start3A_127 = arith.constant 0 : i32
        %dma_start3A_128 = tpu.memref_slice %arg11[%scan3A_65, %dma_start3A_127] : memref<17x32xi32, #tpu.memory_space<vmem>> -> memref<1x32xi32, #tpu.memory_space<vmem>>
        %dma_start3A_129 = tpu.memref_squeeze %dma_start3A_128 : memref<1x32xi32, #tpu.memory_space<vmem>> -> memref<32xi32, #tpu.memory_space<vmem>>
        %dma_start3A_130 = arith.constant 0 : i32
        %dma_start3A_131 = arith.constant 0 : i32
        %dma_start3A_132 = tpu.memref_slice %arg7[%dma_start3A_130, %dma_start3A_131] : memref<32768x1024xf32, #tpu.memory_space<hbm>> -> memref<32768x1024xf32, #tpu.memory_space<hbm>>
        tpu.enqueue_indirect_dma source(%arg15 : memref<32x1024xf32, #tpu.memory_space<vmem>>) target(%dma_start3A_132 : memref<32768x1024xf32, #tpu.memory_space<hbm>>) offsets(%dma_start3A_129 : memref<32xi32, #tpu.memory_space<vmem>>) semaphore(%arg22 : memref<!tpu.dma_semaphore, #tpu.memory_space<semaphore_mem>>)
        %add3A_133 = arith.constant 1 : i32
        %add3A_134 = arith.addi %scan3A_65, %add3A_133 : i32
        %lt3A_135 = arith.constant 17 : i32
        %lt3A_136 = arith.cmpi slt, %add3A_134, %lt3A_135 : i32
        %convert_element_type3A_137 = arith.extui %lt3A_136 : i1 to i32
        %cond3A_138 = arith.constant 0 : i32
        %cond3A_139 = arith.cmpi ne, %convert_element_type3A_137, %cond3A_138 : i32
        scf.if %cond3A_139 {
          %ge3A = arith.constant 2 : i32
          %ge3A_140 = arith.cmpi sge, %scan3A_65, %ge3A : i32
          %convert_element_type3A_141 = arith.extui %ge3A_140 : i1 to i32
          %cond3A_142 = arith.constant 0 : i32
          %cond3A_143 = arith.cmpi ne, %convert_element_type3A_141, %cond3A_142 : i32
          scf.if %cond3A_143 {
            %sub3A = arith.constant 2 : i32
            %sub3A_144 = arith.subi %scan3A_65, %sub3A : i32
            %dma_wait3A_145 = arith.constant 0 : i32
            %dma_wait3A_146 = tpu.memref_slice %arg11[%sub3A_144, %dma_wait3A_145] : memref<17x32xi32, #tpu.memory_space<vmem>> -> memref<1x32xi32, #tpu.memory_space<vmem>>
            %dma_wait3A_147 = tpu.memref_squeeze %dma_wait3A_146 : memref<1x32xi32, #tpu.memory_space<vmem>> -> memref<32xi32, #tpu.memory_space<vmem>>
            %dma_wait3A_148 = arith.constant 0 : i32
            %dma_wait3A_149 = arith.constant 0 : i32
            %dma_wait3A_150 = tpu.memref_slice %arg7[%dma_wait3A_148, %dma_wait3A_149] : memref<32768x1024xf32, #tpu.memory_space<hbm>> -> memref<32768x1024xf32, #tpu.memory_space<hbm>>
            tpu.wait_indirect_dma semaphore(%arg20 : memref<!tpu.dma_semaphore, #tpu.memory_space<semaphore_mem>>) src(%arg13 : memref<32x1024xf32, #tpu.memory_space<vmem>>) dst(%dma_wait3A_150 : memref<32768x1024xf32, #tpu.memory_space<hbm>>)
            %add3A_151 = arith.constant 1 : i32
            %add3A_152 = arith.addi %scan3A_65, %add3A_151 : i32
            %mul3A_153 = arith.constant 32 : i32
            %mul3A_154 = arith.muli %add3A_152, %mul3A_153 : i32
            %add3A_155 = arith.addi %mul3A_2, %mul3A_154 : i32
            %dma_start3A_156 = arith.constant 0 : i32
            %dma_start3A_157 = tpu.memref_slice %arg2[%add3A_155, %dma_start3A_156] : memref<17408x1024xf32, #tpu.memory_space<hbm>> -> memref<32x1024xf32, #tpu.memory_space<hbm>>
            %dma_start3A_158 = arith.constant 0 : i32
            %dma_start3A_159 = tpu.memref_slice %arg2[%add3A_155, %dma_start3A_158] : memref<17408x1024xf32, #tpu.memory_space<hbm>> -> memref<32x1024xf32, #tpu.memory_space<hbm>>
            tpu.enqueue_dma source(%dma_start3A_159 : memref<32x1024xf32, #tpu.memory_space<hbm>>) target(%arg13 : memref<32x1024xf32, #tpu.memory_space<vmem>>) target_semaphore(%arg17 : memref<!tpu.dma_semaphore, #tpu.memory_space<semaphore_mem>>)
          } else {
          }
        } else {
        }
      } else {
      }
    }
    %scan3A_38 = arith.constant 17 : i32
    %dma_wait3A = arith.constant 14 : i32
    %dma_wait3A_39 = arith.constant 0 : i32
    %dma_wait3A_40 = tpu.memref_slice %arg11[%dma_wait3A, %dma_wait3A_39] : memref<17x32xi32, #tpu.memory_space<vmem>> -> memref<1x32xi32, #tpu.memory_space<vmem>>
    %dma_wait3A_41 = tpu.memref_squeeze %dma_wait3A_40 : memref<1x32xi32, #tpu.memory_space<vmem>> -> memref<32xi32, #tpu.memory_space<vmem>>
    %dma_wait3A_42 = arith.constant 0 : i32
    %dma_wait3A_43 = arith.constant 0 : i32
    %dma_wait3A_44 = tpu.memref_slice %arg7[%dma_wait3A_42, %dma_wait3A_43] : memref<32768x1024xf32, #tpu.memory_space<hbm>> -> memref<32768x1024xf32, #tpu.memory_space<hbm>>
    tpu.wait_indirect_dma semaphore(%arg22 : memref<!tpu.dma_semaphore, #tpu.memory_space<semaphore_mem>>) src(%arg15 : memref<32x1024xf32, #tpu.memory_space<vmem>>) dst(%dma_wait3A_44 : memref<32768x1024xf32, #tpu.memory_space<hbm>>)
    %dma_wait3A_45 = arith.constant 15 : i32
    %dma_wait3A_46 = arith.constant 0 : i32
    %dma_wait3A_47 = tpu.memref_slice %arg11[%dma_wait3A_45, %dma_wait3A_46] : memref<17x32xi32, #tpu.memory_space<vmem>> -> memref<1x32xi32, #tpu.memory_space<vmem>>
    %dma_wait3A_48 = tpu.memref_squeeze %dma_wait3A_47 : memref<1x32xi32, #tpu.memory_space<vmem>> -> memref<32xi32, #tpu.memory_space<vmem>>
    %dma_wait3A_49 = arith.constant 0 : i32
    %dma_wait3A_50 = arith.constant 0 : i32
    %dma_wait3A_51 = tpu.memref_slice %arg7[%dma_wait3A_49, %dma_wait3A_50] : memref<32768x1024xf32, #tpu.memory_space<hbm>> -> memref<32768x1024xf32, #tpu.memory_space<hbm>>
    tpu.wait_indirect_dma semaphore(%arg20 : memref<!tpu.dma_semaphore, #tpu.memory_space<semaphore_mem>>) src(%arg13 : memref<32x1024xf32, #tpu.memory_space<vmem>>) dst(%dma_wait3A_51 : memref<32768x1024xf32, #tpu.memory_space<hbm>>)
    %dma_wait3A_52 = arith.constant 16 : i32
    %dma_wait3A_53 = arith.constant 0 : i32
    %dma_wait3A_54 = tpu.memref_slice %arg11[%dma_wait3A_52, %dma_wait3A_53] : memref<17x32xi32, #tpu.memory_space<vmem>> -> memref<1x32xi32, #tpu.memory_space<vmem>>
    %dma_wait3A_55 = tpu.memref_squeeze %dma_wait3A_54 : memref<1x32xi32, #tpu.memory_space<vmem>> -> memref<32xi32, #tpu.memory_space<vmem>>
    %dma_wait3A_56 = arith.constant 0 : i32
    %dma_wait3A_57 = arith.constant 0 : i32
    %dma_wait3A_58 = tpu.memref_slice %arg7[%dma_wait3A_56, %dma_wait3A_57] : memref<32768x1024xf32, #tpu.memory_space<hbm>> -> memref<32768x1024xf32, #tpu.memory_space<hbm>>
    tpu.wait_indirect_dma semaphore(%arg21 : memref<!tpu.dma_semaphore, #tpu.memory_space<semaphore_mem>>) src(%arg14 : memref<32x1024xf32, #tpu.memory_space<vmem>>) dst(%dma_wait3A_58 : memref<32768x1024xf32, #tpu.memory_space<hbm>>)
    %scan3A_59 = arith.constant 0 : i32
    %scan3A_60 = arith.constant 0 : i32
    %scan3A_61 = arith.constant 30 : i32
    %scan3A_62 = arith.addi %scan3A_60, %scan3A_61 : i32
    %scan3A_63 = arith.constant 1 : i32
    scf.for %scan3A_65 = %scan3A_60 to %scan3A_62 step %scan3A_63  : i32 {
      %dma_wait3A_66 = arith.constant 0 : i32
      %dma_wait3A_67 = tpu.memref_slice %arg12[%scan3A_65, %dma_wait3A_66] : memref<30x16xi32, #tpu.memory_space<vmem>> -> memref<1x16xi32, #tpu.memory_space<vmem>>
      %dma_wait3A_68 = tpu.memref_squeeze %dma_wait3A_67 : memref<1x16xi32, #tpu.memory_space<vmem>> -> memref<16xi32, #tpu.memory_space<vmem>>
      %dma_wait3A_69 = arith.constant 0 : i32
      %dma_wait3A_70 = arith.constant 0 : i32
      %dma_wait3A_71 = tpu.memref_slice %arg7[%dma_wait3A_69, %dma_wait3A_70] : memref<32768x1024xf32, #tpu.memory_space<hbm>> -> memref<32768x1024xf32, #tpu.memory_space<hbm>>
      tpu.wait_indirect_dma semaphore(%arg23 : memref<!tpu.dma_semaphore, #tpu.memory_space<semaphore_mem>>) src(%arg16 : memref<16x1024xf32, #tpu.memory_space<vmem>>) dst(%dma_wait3A_71 : memref<32768x1024xf32, #tpu.memory_space<hbm>>)
    }
    %scan3A_64 = arith.constant 30 : i32
    return
  }
}

</mosaic_0001>

<sc_bundles>
// kernel: kernel.3.cloned.1.call-start
scs
__scs_entry_jumppad:
0x0: {  	(pc) =	sbr.rel $0x88, $3  }
0x1: {  	(tag) =	ssettag $0x0;
	lr =	simm.s32 $0x1  }
0x2: {  	[smem:$0x3F9F] =	sst lr;
	_ =	strace $0xD0000000  }
0x3: {  	_ = 	snop  }
0x4: {  	_ = 	snop  }
0x5: {  	_ = 	snop  }
0x6: {  	_ = 	snop  }
0x7: {  	_ = 	snop  }
__scs_overlays_trampoline_lowered:
0x8: {  	[smem:$0x3FAE] =	sst s0  }
0x9: {  	[smem:$0x3FAF] =	sst s1  }
0xa: {  	[smem:$0x3FB0] =	sst s2  }
0xb: {  	[smem:$0x3FB1] =	sst s3  }
0xc: {  	[smem:$0x3FB2] =	sst s4  }
0xd: {  	[smem:$0x3FB3] =	sst s5  }
0xe: {  	[smem:$0x3FB4] =	sst s6  }
0xf: {  	[smem:$0x3FB5] =	sst s7  }
0x10: {  	[smem:$0x3FB6] =	sst s8  }
0x11: {  	[smem:$0x3FB7] =	sst s9;
	s0 =	simm.s32 @!p0 $0x0  }
0x12: {  	s1 =	sld [smem:$0x3F9D];
	s0 =	simm.s32 @p0 $0x1  }
0x13: {  	[smem:$0x3FB8] =	sst s0;
	s0 =	simm.s32 @!p1 $0x0  }
0x14: {  	s2 =	sld [smem:$0x3F9C];
	s0 =	simm.s32 @p1 $0x1  }
0x15: {  	[smem:$0x3FB9] =	sst s0;
	s0 =	simm.s32 @!p2 $0x0  }
0x16: {  	s3 =	sld [smem:$0x3FDB];
	s0 =	simm.s32 @p2 $0x1  }
0x17: {  	s4 =	simm.s32 $0x1BF5;
	[smem:$0x3FBB] =	sst s0  }
0x18: {  	s0 =	sld [smem:$0x3F9E];
	_ =	swait.ge [sflag:s4], $0x0  }
0x19: {  	s7 =	sld [smem:$0x3F9F]  }
0x1a: {  	s8 =	sadd.s32 $0xFFFFE003, lr  }
0x1b: {  	s9 =	sadd.s32 $0xFFFFFEF7, lr;
	s5 =	simm.s32 $0xFFFFFFFF;
	p2 =	slt.u32 s8, $0xFFFFF086  }
0x1c: {  	p1 =	slt.u32 s9, $0xF7A;
	s5 =	simm.s32 @!p2 $0x0  }
0x1d: {  	s5 =	simm.s32 @p1 $0x1;
	p0 =	seq.s32 s7, s2  }
0x1e: {  	s7 =	smul.u32 @!p0 $0xF7A, s2;
	p2 =	seq.s32 @!p0 s5, $0x0  }
0x1f: {  	s9 =	smul.u32 $0xF7A, s1;
	s8 =	simm.s32 @!p0 $0x1BF5;
	p2 =	por !p2, p0  }
0x20: {  	[sflag:s8] =	ssyncset.s32 @!p0 $0xFFFFF086;
	s6 =	sadd.s32 @!p0 s3, s7;
	s7 =	simm.s32 @!p0 $0x108  }
0x21: {  	s3 =	sadd.s32 s3, s9;
	s6 =	sadd.s32 @!p0 $0x88, s6;
	s7 =	simm.s32 @p2 $0x1082  }
0x22: {  	[simem:s7], [sflag:s8] =	dma.local @!p0 [hbm:s6], $0xF7A  }
0x23: {  	s9 =	sor.u32 $0xD0000000, s2;
	s6 =	simm.s32 $0x108;
	_ =	swait.ge @!p0 [sflag:s8], $0x0  }
0x24: {  	s3 =	sadd.s32 $0x88, s3;
	s6 =	simm.s32 @!p1 $0x1082;
	[sflag:s4] =	ssyncset.s32 $0xFFFFF086  }
0x25: {  	[simem:s6], [sflag:s4] =	dma.local [hbm:s3], $0xF7A  }
0x26: {  	[smem:$0x3F9F] =	sst s1;
	(tag) =	ssettag s2;
	_ =	strace s9  }
0x27: {  	s1 =	sld [smem:$0x3FAF]  }
0x28: {  	s2 =	sld [smem:$0x3FB0]  }
0x29: {  	s4 =	sld [smem:$0x3FB2]  }
0x2a: {  	p0 =	seq.s32 s5, $0x0;
	s5 =	sld [smem:$0x3FB3]  }
0x2b: {  	s6 =	sld [smem:$0x3FB4]  }
0x2c: {  	s7 =	sld [smem:$0x3FB5]  }
0x2d: {  	s3 =	simm.s32 $0x108;
	s8 =	sld [smem:$0x3FB6]  }
0x2e: {  	s3 =	simm.s32 @!p0 $0x1082;
	s9 =	sld [smem:$0x3FB7]  }
0x2f: {  	lr =	sadd.s32 s0, s3;
	s0 =	sld [smem:$0x3FAE]  }
0x30: {  	s3 =	sld [smem:$0x3FB1]  }
0x31: {  	[smem:$0x3FBA] =	sst s10  }
0x32: {  	s10 =	sld [smem:$0x3FB8];
	_ =	sdelay $0x3  }
0x33: {  	p0 =	seq.s32 s10, $0x1;
	s10 =	sld [smem:$0x3FBA];
	_ =	sdelay $0x3  }
0x34: {  	[smem:$0x3FBA] =	sst s10  }
0x35: {  	s10 =	sld [smem:$0x3FB9];
	_ =	sdelay $0x3  }
0x36: {  	p1 =	seq.s32 s10, $0x1;
	s10 =	sld [smem:$0x3FBA];
	_ =	sdelay $0x3  }
0x37: {  	[smem:$0x3FBA] =	sst s10  }
0x38: {  	s10 =	sld [smem:$0x3FBB]  }
0x39: {  	_ = 	snop;
	(pc) =	sbr.ind lr, $3  }
0x3a: {  	_ = 	snop  }
0x3b: {  	_ = 	snop  }
0x3c: {  	p2 =	seq.s32 s10, $0x1;
	s10 =	sld [smem:$0x3FBA]  }
0x3d: {  	_ =	shalt  }
0x3e: {  	_ =	shalt  }
0x3f: {  	_ =	shalt  }
0x40: {  	_ =	shalt  }
0x41: {  	_ =	shalt  }
0x42: {  	_ =	shalt  }
0x43: {  	_ =	shalt  }
0x44: {  	_ =	shalt  }
0x45: {  	_ =	shalt  }
0x46: {  	_ =	shalt  }
0x47: {  	_ =	shalt  }
0x48: {  	_ =	shalt  }
0x49: {  	_ =	shalt  }
0x4a: {  	_ =	shalt  }
0x4b: {  	_ =	shalt  }
0x4c: {  	_ =	shalt  }
0x4d: {  	_ =	shalt  }
0x4e: {  	_ =	shalt  }
0x4f: {  	_ =	shalt  }
0x50: {  	_ =	shalt  }
0x51: {  	_ =	shalt  }
0x52: {  	_ =	shalt  }
0x53: {  	_ =	shalt  }
0x54: {  	_ =	shalt  }
0x55: {  	_ =	shalt  }
0x56: {  	_ =	shalt  }
0x57: {  	_ =	shalt  }
0x58: {  	_ =	shalt  }
0x59: {  	_ =	shalt  }
0x5a: {  	_ =	shalt  }
0x5b: {  	_ =	shalt  }
0x5c: {  	_ =	shalt  }
0x5d: {  	_ =	shalt  }
0x5e: {  	_ =	shalt  }
0x5f: {  	_ =	shalt  }
0x60: {  	_ =	shalt  }
0x61: {  	_ =	shalt  }
0x62: {  	_ =	shalt  }
0x63: {  	_ =	shalt  }
0x64: {  	_ =	shalt  }
0x65: {  	_ =	shalt  }
0x66: {  	_ =	shalt  }
0x67: {  	_ =	shalt  }
0x68: {  	_ =	shalt  }
0x69: {  	_ =	shalt  }
0x6a: {  	_ =	shalt  }
0x6b: {  	_ =	shalt  }
0x6c: {  	_ =	shalt  }
0x6d: {  	_ =	shalt  }
0x6e: {  	_ =	shalt  }
0x6f: {  	_ =	shalt  }
0x70: {  	_ =	shalt  }
0x71: {  	_ =	shalt  }
0x72: {  	_ =	shalt  }
0x73: {  	_ =	shalt  }
0x74: {  	_ =	shalt  }
0x75: {  	_ =	shalt  }
0x76: {  	_ =	shalt  }
0x77: {  	_ =	shalt  }
0x78: {  	_ =	shalt  }
0x79: {  	_ =	shalt  }
0x7a: {  	_ =	shalt  }
0x7b: {  	_ =	shalt  }
0x7c: {  	_ =	shalt  }
0x7d: {  	_ =	shalt  }
0x7e: {  	_ =	shalt  }
0x7f: {  	_ =	shalt  }
0x80: {  	_ =	shalt  }
0x81: {  	_ =	shalt  }
0x82: {  	_ =	shalt  }
0x83: {  	_ =	shalt  }
0x84: {  	_ =	shalt  }
0x85: {  	_ =	shalt  }
0x86: {  	_ =	shalt  }
0x87: {  	_ =	shalt  }
.Lfunc_end0:
.L_simem_size_0:
called_computation_lowered:
.L_overlay_start_0:
0x88: {  	s2 =	sld [smem:$0x3FD9]  }
0x89: {  	s3 =	sld [smem:$0x3FFE];
	_ =	sdelay $0x1  }
0x8a: {  	s1 =	srdreg.scid  }
0x8b: {  	s0 =	sand.u32 $0x1, s1  }
0x8c: {  	s17 =	sshll.u32 s0, $0xA;
	s2 =	sadd.s32 s3, s2  }
0x8d: {  	s2 =	sadd.s32 s2, s17  }
0x8e: {  	[smem:$0x3FC6] =	sst s2  }
0x8f: {  	_ = 	snop  }
0x90: {  	s2 =	sld [smem:$0x3FC9]  }
0x91: {  	s18 =	sld [smem:$0x3FC8]  }
0x92: {  	s4 =	sld [smem:$0x3FD0];
	(tm) =	ssettm $0x1  }
0x93: {  	s5 =	sld [smem:$0x3FFB];
	_ =	sdelay $0x3  }
0x94: {  	_ =	strace s5  }
0x95: {  	s5 =	sld [smem:$0x3FFC];
	_ =	sdelay $0x3  }
0x96: {  	_ =	strace s5  }
0x97: {  	s5 =	sld [smem:$0x3FFD];
	_ =	sdelay $0x3  }
0x98: {  	_ =	strace s5  }
0x99: {  	_ =	strace $0x8FFFFFFF  }
0x9a: {  	s19 =	sld [smem:$0x3FDB];
	_ =	sdelay $0x1  }
0x9b: {  	s6 =	simm.s32 $_scs_section_size  }
0x9c: {  	s7 =	simm.s32 $_size__tile_overlayer_lowered;
	s8 =	simm.s32 $_tile_overlayer_lowered  }
0x9d: {  	s22 =	simm.s32 $0x1BFF;
	s21 =	sshll.u32 s8, $0x1;
	s5 =	sadd.s32 s6, s19  }
0x9e: {  	s9 =	simm.s32 $0x0;
	s20 =	sshll.u32 s7, $0x1;
	s7 =	sadd.s32 s21, s5  }
0x9f: {  	[timem:s9], [sflag:s22] =	dma.local [hbm:s7], s20  }
0xa0: {  	_ =	swait.ge [sflag:s22], s20  }
0xa1: {  	s6 =	ssub.s32 $0x0, s20;
	[sflag:s22] =	ssyncset.done $0x0  }
0xa2: {  	[sflag:s22] =	ssyncadd.s32 s6;
	_ =	sdelay $0x1  }
0xa3: {  	s23 =	simm.s32 $0x1B8B  }
0xa4: {  	_ =	swait.ge [sflag:s23], $0x1  }
0xa5: {  	[sflag:s23] =	ssyncset.done $0x0  }
0xa6: {  	s25 =	simm.s32 $0x1B8E;
	s24 =	sld [smem:$0x3FFE];
	[sflag:s23] =	ssyncadd.s32 $0xFFFFFFFF  }
0xa7: {  	s26 =	simm.s32 $execute0_lowered;
	[smem:$0x3FD2] =	sst s25  }
0xa8: {  	s7 =	sshll.u32 s26, $0x1;
	_ =	strace $0x80000046;
	[dreg:$0x1] =	wrdreg $0xFFFFFFFF  }
0xa9: {  	s28 =	simm.s32 $_size_execute0_lowered;
	s5 =	sadd.s32 s5, s7;
	[dreg:$0x0] =	wrdreg $0x0  }
0xaa: {  	s7 =	sshll.u32 s28, $0x1;
	[dreg:$0x2] =	wrdreg s5  }
0xab: {  	[dreg:$0x3] =	wrdreg s7  }
0xac: {  	[dreg:$0x4] =	wrdreg $0xC0  }
0xad: {  	_ =	task [dreg:s9], $0x5FFFF  }
0xae: {  	[dreg:$0x1] =	wrdreg $0xFFFFFFFF  }
0xaf: {  	[dreg:$0x0] =	wrdreg $0x60  }
0xb0: {  	[dreg:$0x2] =	wrdreg s2  }
0xb1: {  	[dreg:$0x3] =	wrdreg s24  }
0xb2: {  	[dreg:$0x4] =	wrdreg s18  }
0xb3: {  	[dreg:$0x5] =	wrdreg s4  }
0xb4: {  	[dreg:$0x6] =	wrdreg $0x9  }
0xb5: {  	_ =	task.clear_ibuf [dreg:s9], $0x7FFFF;
	_ =	strace $0x90000046  }
0xb6: {  	s29 =	simm.s32 $0x9;
	_ =	strace $0x80000048  }
0xb7: {  	_ =	swait.ge [sflag:s29], $0x1  }
0xb8: {  	[sflag:s29] =	ssyncadd.s32 $0xFFFFFFFF  }
0xb9: {  	_ =	strace $0x90000048  }
0xba: {  	_ =	sfence  }
0xbb: {  	s30 =	sld [smem:$0x0];
	_ =	sdelay $0x2  }
0xbc: {  	s31 =	sshll.u32 s1, $0xD;
	s1 =	sshrl.u32 s1, $0x2  }
0xbd: {  	s3 =	sand.u32 $0x4000, s31;
	s1 =	sadd.s32 s1, s30  }
0xbe: {  	s0 =	sor.u32 s3, s0;
	s1 =	sshll.u32 s1, $0x11  }
0xbf: {  	s0 =	sor.u32 s1, s0  }
0xc0: {  	s0 =	sadd.s32 $0x8F2B, s0  }
0xc1: {  	[sflag:s0] =	ssyncadd.remote.s32 $0x1  }
0xc2: {  	_ =	sfence.sel $0xFFFF  }
0xc3: {  	[dreg:$0x0] =	wrdreg $0xFFFFFFFF;
	(pc) =	sbr.abs _section_cstart, $3  }
0xc4: {  	[dreg:$0x1] =	wrdreg $0xFFFFFFFF  }
0xc5: {  	_ =	task.clear_ibuf [dreg:s9], $0x2FFFF;
	_ =	strace $0x9FFFFFFF  }
0xc6: {  	(tm) =	ssettm $0x7FFFFFFF  }
0xc7: {  	_ =	shalt  }
tec
execute0_lowered:
.L_overlay_start_1:
0x0: {  	(tag) =	ssettag $0x1  }
0x1: {  	s11 =	rddreg [dreg:$0x0]  }
0x2: {  	s4 =	rddreg [dreg:$0x1];
	s0 =	srdreg.scid  }
0x3: {  	s10 =	stileid.u32;
	s5 =	rddreg [dreg:$0x3];
	s6 =	simm.s32 $0x0  }
0x4: {  	s28 =	simm.s32 $0x1B500;
	s29 =	simm.s32 $0x1BD00;
	s30 =	simm.s32 $0x1C500  }
0x5: {  	s31 =	simm.s32 $0x1CD00;
	s17 =	simm.s32 $0x7;
	s18 =	simm.s32 $0x2  }
0x6: {  	s15 =	simm.s32 $0x8D00;
	s16 =	simm.s32 $0x9D00;
	s0 =	sand.u32 $0x1, s0  }
0x7: {  	s1 =	sshll.u32 s10, $0x1;
	[smem:$0x7FF] =	sst s6;
	s19 =	smul.u32 $0x3C0, s10  }
0x8: {  	s3 =	sadd.s32 $0x200, s4;
	s4 =	sadd.s32 $0x400, s4;
	s9 =	smul.u32 $0x440, s10  }
0x9: {  	s23 =	smul.u32 $0x110000, s10;
	s12 =	sadd.s32 $0x100, s5;
	s13 =	sadd.s32 $0x200, s5  }
0xa: {  	s14 =	sadd.s32 $0x300, s5;
	s1 =	sor.u32 s0, s1;
	s7 =	smul.u32 $0x1E0, s0  }
0xb: {  	_ =	strace $0x80000047;
	[dreg:$0x5] =	wrdreg s3;
	s21 =	smul.u32 $0x220, s0  }
0xc: {  	[dreg:$0x6] =	wrdreg s4;
	s20 =	ssub.s32 $0x2, s0;
	s0 =	smul.u32 $0x88000, s0  }
0xd: {  	s3 =	simm.s32 $0x1D500;
	s2 =	smul.u32 $0x11000, s1;
	s8 =	sshrl.u32 s20, $0x1  }
0xe: {  	s1 =	smul.u32 $0x88000, s1;
	s4 =	ssub.s32 s20, s8;
	s25 =	sadd.s32 s7, s19  }
0xf: {  	s26 =	sadd.s32 s21, s9;
	s0 =	sadd.s32 s0, s23;
	s19 =	simm.s32 $0x2500  }
0x10: {  	s20 =	simm.s32 $0xA500;
	s21 =	simm.s32 $0x12500;
	s23 =	simm.s32 $0x880  }
0x11: {  	s8 =	simm.s32 $0x9500;
	s9 =	simm.s32 $0x0;
	s1 =	sshrl.u32 s1, $0x3  }
0x12: {  	s2 =	sadd.s32 s11, s2;
	s24 =	smax.u32 s4, $0x1;
	[dreg:$0xb] =	wrdreg s25  }
0x13: {  	s0 =	sadd.s32 $0x8000, s0;
	s4 =	simm.s32 $0x3;
	[dreg:$0x7] =	wrdreg s2  }
.Ltmp0:
0x14: {  	v1 =	vimm.s32 $0x10;
	v5 =	vimm.s32 $0x400;
	s1 =	sadd.s32 s11, s1;
	[dreg:$0xa] =	wrdreg s24;
	(pc) =	sbr.rel .LBB2_1-.Ltmp0, $4  }
0x15: {  	[dreg:$0xd] =	wrdreg s0;
	s24 =	simm.s32 $0x1A500;
	s22 =	sadd.s32 $0x1000, s1  }
0x16: {  	v0 =	vlaneseq.u32;
	s0 =	simm.s32 $0x1DD00;
	s1 =	sadd.s32 $0x2000, s1;
	[dreg:$0x8] =	wrdreg s22  }
0x17: {  	vm0 =	vmmov $0xffff;
	v6 =	vimm.s32 $0x0;
	v3 =	vshrl.u32 v0, $0x3;
	s11 =	simm.s32 $0x1;
	[dreg:$0x9] =	wrdreg s1;
	s1 =	sor.u32 $0x10, s26  }
0x18: {  	v2 =	vand.u32 $0x7, v0;
	v4 =	vor.u32 $0x8, v0;
	v3 =	vmul.u32 $0x8, v3;
	s22 =	simm.s32 $0x800;
	s26 =	simm.s32 $0x1AD00;
	[dreg:$0xc] =	wrdreg s1  }
.LBB2_18:
0x19: {  	s1 =	simm.s32 $0x6  }
0x1a: {  	_ =	swait.ge [sflag:s1], $0x8000  }
0x1b: {  	[sflag:s1] =	ssyncset.done $0x0  }
0x1c: {  	s7 =	simm.s32 $0x4;
	[sflag:s1] =	ssyncadd.s32 $0xFFFF8000  }
0x1d: {  	_ =	swait.ge [sflag:s7], $0x8000  }
0x1e: {  	[sflag:s7] =	ssyncset.done $0x0  }
0x1f: {  	s10 =	simm.s32 $0x5;
	[sflag:s7] =	ssyncadd.s32 $0xFFFF8000  }
0x20: {  	_ =	swait.ge [sflag:s10], $0x8000  }
0x21: {  	[sflag:s10] =	ssyncset.done $0x0  }
0x22: {  	[sflag:s10] =	ssyncadd.s32 $0xFFFF8000  }
0x23: {  	_ =	swait.ge [sflag:s17], $0x4000  }
0x24: {  	[sflag:s17] =	ssyncset.done $0x0  }
0x25: {  	[sflag:s17] =	ssyncadd.s32 $0xFFFFC000  }
0x26: {  	_ =	swait.ge [sflag:s17], $0x4000  }
0x27: {  	[sflag:s17] =	ssyncset.done $0x0  }
0x28: {  	[sflag:s17] =	ssyncadd.s32 $0xFFFFC000  }
0x29: {  	_ =	swait.ge [sflag:s17], $0x4000  }
0x2a: {  	[sflag:s17] =	ssyncset.done $0x0  }
0x2b: {  	[sflag:s17] =	ssyncadd.s32 $0xFFFFC000  }
0x2c: {  	_ =	swait.ge [sflag:s17], $0x4000  }
0x2d: {  	[sflag:s17] =	ssyncset.done $0x0  }
0x2e: {  	[sflag:s17] =	ssyncadd.s32 $0xFFFFC000  }
0x2f: {  	_ =	swait.ge [sflag:s17], $0x4000  }
0x30: {  	[sflag:s17] =	ssyncset.done $0x0  }
0x31: {  	[sflag:s17] =	ssyncadd.s32 $0xFFFFC000  }
0x32: {  	_ =	swait.ge [sflag:s17], $0x4000  }
0x33: {  	[sflag:s17] =	ssyncset.done $0x0  }
0x34: {  	[sflag:s17] =	ssyncadd.s32 $0xFFFFC000  }
0x35: {  	_ =	swait.ge [sflag:s17], $0x4000  }
0x36: {  	[sflag:s17] =	ssyncset.done $0x0  }
0x37: {  	[sflag:s17] =	ssyncadd.s32 $0xFFFFC000  }
0x38: {  	_ =	swait.ge [sflag:s17], $0x4000  }
0x39: {  	[sflag:s17] =	ssyncset.done $0x0  }
0x3a: {  	[sflag:s17] =	ssyncadd.s32 $0xFFFFC000  }
0x3b: {  	_ =	swait.ge [sflag:s17], $0x4000  }
0x3c: {  	[sflag:s17] =	ssyncset.done $0x0  }
0x3d: {  	[sflag:s17] =	ssyncadd.s32 $0xFFFFC000  }
0x3e: {  	_ =	swait.ge [sflag:s17], $0x4000  }
0x3f: {  	[sflag:s17] =	ssyncset.done $0x0  }
0x40: {  	[sflag:s17] =	ssyncadd.s32 $0xFFFFC000  }
0x41: {  	_ =	swait.ge [sflag:s17], $0x4000  }
0x42: {  	[sflag:s17] =	ssyncset.done $0x0  }
0x43: {  	[sflag:s17] =	ssyncadd.s32 $0xFFFFC000  }
0x44: {  	_ =	swait.ge [sflag:s17], $0x4000  }
0x45: {  	[sflag:s17] =	ssyncset.done $0x0  }
0x46: {  	[sflag:s17] =	ssyncadd.s32 $0xFFFFC000  }
0x47: {  	_ =	swait.ge [sflag:s17], $0x4000  }
0x48: {  	[sflag:s17] =	ssyncset.done $0x0  }
0x49: {  	[sflag:s17] =	ssyncadd.s32 $0xFFFFC000  }
0x4a: {  	_ =	swait.ge [sflag:s17], $0x4000  }
0x4b: {  	[sflag:s17] =	ssyncset.done $0x0  }
0x4c: {  	[sflag:s17] =	ssyncadd.s32 $0xFFFFC000  }
0x4d: {  	_ =	swait.ge [sflag:s17], $0x4000  }
0x4e: {  	[sflag:s17] =	ssyncset.done $0x0  }
0x4f: {  	[sflag:s17] =	ssyncadd.s32 $0xFFFFC000  }
0x50: {  	_ =	swait.ge [sflag:s17], $0x4000  }
0x51: {  	[sflag:s17] =	ssyncset.done $0x0  }
0x52: {  	[sflag:s17] =	ssyncadd.s32 $0xFFFFC000  }
0x53: {  	_ =	swait.ge [sflag:s17], $0x4000  }
0x54: {  	[sflag:s17] =	ssyncset.done $0x0  }
0x55: {  	[sflag:s17] =	ssyncadd.s32 $0xFFFFC000  }
0x56: {  	_ =	swait.ge [sflag:s17], $0x4000  }
0x57: {  	[sflag:s17] =	ssyncset.done $0x0  }
0x58: {  	[sflag:s17] =	ssyncadd.s32 $0xFFFFC000  }
0x59: {  	_ =	swait.ge [sflag:s17], $0x4000  }
0x5a: {  	[sflag:s17] =	ssyncset.done $0x0  }
0x5b: {  	[sflag:s17] =	ssyncadd.s32 $0xFFFFC000  }
0x5c: {  	_ =	swait.ge [sflag:s17], $0x4000  }
0x5d: {  	[sflag:s17] =	ssyncset.done $0x0  }
0x5e: {  	[sflag:s17] =	ssyncadd.s32 $0xFFFFC000  }
0x5f: {  	_ =	swait.ge [sflag:s17], $0x4000  }
0x60: {  	[sflag:s17] =	ssyncset.done $0x0  }
0x61: {  	[sflag:s17] =	ssyncadd.s32 $0xFFFFC000  }
0x62: {  	_ =	swait.ge [sflag:s17], $0x4000  }
0x63: {  	[sflag:s17] =	ssyncset.done $0x0  }
0x64: {  	[sflag:s17] =	ssyncadd.s32 $0xFFFFC000  }
0x65: {  	_ =	swait.ge [sflag:s17], $0x4000  }
0x66: {  	[sflag:s17] =	ssyncset.done $0x0  }
0x67: {  	[sflag:s17] =	ssyncadd.s32 $0xFFFFC000  }
0x68: {  	_ =	swait.ge [sflag:s17], $0x4000  }
0x69: {  	[sflag:s17] =	ssyncset.done $0x0  }
0x6a: {  	[sflag:s17] =	ssyncadd.s32 $0xFFFFC000  }
0x6b: {  	_ =	swait.ge [sflag:s17], $0x4000  }
0x6c: {  	[sflag:s17] =	ssyncset.done $0x0  }
0x6d: {  	[sflag:s17] =	ssyncadd.s32 $0xFFFFC000  }
0x6e: {  	_ =	swait.ge [sflag:s17], $0x4000  }
0x6f: {  	[sflag:s17] =	ssyncset.done $0x0  }
0x70: {  	[sflag:s17] =	ssyncadd.s32 $0xFFFFC000  }
0x71: {  	_ =	swait.ge [sflag:s17], $0x4000  }
0x72: {  	[sflag:s17] =	ssyncset.done $0x0  }
0x73: {  	[sflag:s17] =	ssyncadd.s32 $0xFFFFC000  }
0x74: {  	_ =	swait.ge [sflag:s17], $0x4000  }
0x75: {  	[sflag:s17] =	ssyncset.done $0x0  }
0x76: {  	[sflag:s17] =	ssyncadd.s32 $0xFFFFC000  }
0x77: {  	_ =	swait.ge [sflag:s17], $0x4000  }
0x78: {  	[sflag:s17] =	ssyncset.done $0x0  }
0x79: {  	[sflag:s17] =	ssyncadd.s32 $0xFFFFC000  }
0x7a: {  	_ =	swait.ge [sflag:s17], $0x4000  }
0x7b: {  	s9 =	sadd.s32 $0x1, s9;
	s25 =	rddreg [dreg:$0xa]  }
0x7c: {  	p0 =	sne.s32 s9, s25  }
.Ltmp1:
0x7d: {  	_ = 	snop;
	(pc) =	sbr.rel @!p0 .LBB2_19-.Ltmp1, $3  }
0x7e: {  	_ =	sdelay $0x1  }
0x7f: {  	[sflag:s17] =	ssyncset.done $0x0  }
0x80: {  	[sflag:s17] =	ssyncadd.s32 $0xFFFFC000  }
.LBB2_1:
0x81: {  	s1 =	rddreg [dreg:$0x7]  }
0x82: {  	[tilespmem:s19], [sflag:$0x1] =	stream.linear.gather [hbm4b:s1+s6], $0x8000, $0x38;
	[tilespmem:$0x1E500] =	vst v63  }
0x83: {  	s7 =	rddreg [dreg:$0x8]  }
0x84: {  	[tilespmem:s20], [sflag:$0x2] =	stream.linear.gather [hbm4b:s7+s6], $0x8000, $0x38;
	[tilespmem:$0x1E500] =	vst v63  }
0x85: {  	s10 =	rddreg [dreg:$0x9]  }
0x86: {  	[tilespmem:s21], [sflag:$0x3] =	stream.linear.gather [hbm4b:s10+s6], $0x8000, $0x38;
	[tilespmem:$0x1E500] =	vst v63  }
0x87: {  	s25 =	rddreg [dreg:$0x1]  }
0x88: {  	[tilespmem:s6], [sflag:$0x8] =	stream.linear.gather [hbm4b:s25+s6], $0x800, $0x38;
	[tilespmem:$0x1E500] =	vst v63  }
0x89: {  	s2 =	rddreg [dreg:$0x5]  }
0x8a: {  	[tilespmem:s22], [sflag:$0x8] =	stream.linear.gather [hbm4b:s2+s6], $0x80, $0x38;
	[tilespmem:$0x1E500] =	vst v63  }
0x8b: {  	s7 =	rddreg [dreg:$0x2]  }
0x8c: {  	[tilespmem:s23], [sflag:$0x8] =	stream.linear.gather [hbm4b:s7+s6], $0x80, $0x38;
	[tilespmem:$0x1E500] =	vst v63  }
0x8d: {  	s10 =	rddreg [dreg:$0x6];
	s25 =	simm.s32 $0x8  }
0x8e: {  	[tilespmem:s24], [sflag:$0x8] =	stream.linear.gather [hbm4b:s10+s6], $0x4000, $0x38;
	[tilespmem:$0x1E500] =	vst v63  }
0x8f: {  	_ =	swait.ge [sflag:s25], $0x800  }
0x90: {  	[sflag:s25] =	ssyncset.done $0x0  }
0x91: {  	[sflag:s25] =	ssyncadd.s32 $0xFFFFF800  }
0x92: {  	_ =	swait.ge [sflag:s25], $0x80  }
0x93: {  	[sflag:s25] =	ssyncset.done $0x0  }
0x94: {  	[sflag:s25] =	ssyncadd.s32 $0xFFFFFF80  }
0x95: {  	_ =	swait.ge [sflag:s25], $0x80  }
0x96: {  	[sflag:s25] =	ssyncset.done $0x0  }
0x97: {  	[sflag:s25] =	ssyncadd.s32 $0xFFFFFF80  }
0x98: {  	_ =	swait.ge [sflag:s25], $0x4000  }
0x99: {  	[sflag:s25] =	ssyncset.done $0x0  }
0x9a: {  	s2 =	simm.s32 $0x0;
	s10 =	rddreg [dreg:$0xb];
	[sflag:s25] =	ssyncadd.s32 $0xFFFFC000  }
.LBB2_2:
0x9b: {  	v7 =	vld.idx.msk [tilespmem:v1+s22+$0x0], $0xffff;
	_ =	sdelay $0x3  }
0x9c: {  	v8 =	vor.u32 s10, v0  }
0x9d: {  	vm1 =	vgt.s32 v7, v8  }
0x9e: {  	v7 =	vsel vm1, $0x0, v1  }
0x9f: {  	v9 =	vor.u32 $0x8, v7;
	_ =	sdelay $0x4  }
0xa0: {  	v10 =	vld.idx.msk [tilespmem:v9+s22+$0x0], $0xffff;
	_ =	sdelay $0x4  }
0xa1: {  	vm1 =	vgt.s32 v10, v8  }
0xa2: {  	v7 =	vsel vm1, v7, v9  }
0xa3: {  	v9 =	vor.u32 $0x4, v7;
	_ =	sdelay $0x4  }
0xa4: {  	v59 =	vld.idx.msk [tilespmem:v9+s22+$0x0], $0xffff;
	_ =	sdelay $0x4  }
0xa5: {  	vm1 =	vgt.s32 v59, v8  }
0xa6: {  	v7 =	vsel vm1, v7, v9  }
0xa7: {  	v9 =	vor.u32 $0x2, v7;
	_ =	sdelay $0x4  }
0xa8: {  	v60 =	vld.idx.msk [tilespmem:v9+s22+$0x0], $0xffff;
	_ =	sdelay $0x4  }
0xa9: {  	vm1 =	vgt.s32 v60, v8  }
0xaa: {  	v7 =	vsel vm1, v7, v9  }
0xab: {  	v9 =	vor.u32 $0x1, v7;
	_ =	sdelay $0x4  }
0xac: {  	v61 =	vld.idx.msk [tilespmem:v9+s22+$0x0], $0xffff;
	_ =	sdelay $0x4  }
0xad: {  	vm1 =	vgt.s32 v61, v8  }
0xae: {  	v7 =	vsel vm1, v7, v9;
	_ =	sdelay $0x4  }
0xaf: {  	v9 =	vld.idx.msk [tilespmem:v7+s22+$0x0], $0xffff  }
0xb0: {  	v62 =	vld.idx.msk [tilespmem:v7+s23+$0x0], $0xffff;
	_ =	sdelay $0x3  }
0xb1: {  	v8 =	vsub.s32 v8, v9  }
0xb2: {  	v7 =	vshll.u32 v7, $0xB;
	v8 =	vadd.s32 v62, v8  }
0xb3: {  	v7 =	vadd.s32 v7, v8  }
0xb4: {  	v63 =	vshll.u32 v7, $0x3  }
0xb5: {  	v8 =	vand.u32 $0x7, v8;
	v9 =	vand.u32 $0xFFFFFFC0, v63  }
0xb6: {  	v8 =	vor.u32 v8, v9  }
0xb7: {  	v9 =	vperm.xlane v8, v2;
	_ =	sdelay $0x1  }
0xb8: {  	v9 =	vadd.s32 v3, v9;
	_ =	sdelay $0x2  }
0xb9: {  	s1 =	sshra.s32 s2, $0x2  }
0xba: {  	[tilespmem:s1+$0x1500] =	vst v7;
	s1 =	simm.s32 $0x0  }
0xbb: {  	[hbm4b:s5+s1] =	stream.indirect_vreg.scatter [tilespmem:s24], [sflag:$0x7], $0x80, v9, vm0, $0xb8;
	[tilespmem:$0x1E500] =	vst v63  }
0xbc: {  	v7 =	vperm.xlane v8, v4  }
0xbd: {  	[hbm4b:s12+s1] =	stream.indirect_vreg.scatter [tilespmem:s26], [sflag:$0x7], $0x80, v9, vm0, $0xb8;
	[tilespmem:$0x1E500] =	vst v63  }
0xbe: {  	v7 =	vadd.s32 v3, v7  }
0xbf: {  	[hbm4b:s13+s1] =	stream.indirect_vreg.scatter [tilespmem:s28], [sflag:$0x7], $0x80, v9, vm0, $0xb8;
	[tilespmem:$0x1E500] =	vst v63  }
0xc0: {  	_ = 	snop  }
0xc1: {  	[hbm4b:s14+s1] =	stream.indirect_vreg.scatter [tilespmem:s29], [sflag:$0x7], $0x80, v9, vm0, $0xb8;
	[tilespmem:$0x1E500] =	vst v63  }
0xc2: {  	_ = 	snop  }
0xc3: {  	[hbm4b:s5+s1] =	stream.indirect_vreg.scatter [tilespmem:s30], [sflag:$0x7], $0x80, v7, vm0, $0xb8;
	[tilespmem:$0x1E500] =	vst v63  }
0xc4: {  	p0 =	sne.s32 s2, $0x3A00  }
0xc5: {  	[hbm4b:s12+s1] =	stream.indirect_vreg.scatter [tilespmem:s31], [sflag:$0x7], $0x80, v7, vm0, $0xb8;
	[tilespmem:$0x1E500] =	vst v63  }
.Ltmp2:
0xc6: {  	_ = 	snop;
	(pc) =	sbr.rel @p0 .LBB2_2-.Ltmp2, $4  }
0xc7: {  	_ = 	snop  }
0xc8: {  	[hbm4b:s13+s1] =	stream.indirect_vreg.scatter [tilespmem:s3], [sflag:$0x7], $0x80, v7, vm0, $0xb8;
	[tilespmem:$0x1E500] =	vst v63  }
0xc9: {  	s10 =	sadd.s32 $0x10, s10;
	s2 =	sadd.s32 $0x200, s2  }
0xca: {  	[hbm4b:s14+s1] =	stream.indirect_vreg.scatter [tilespmem:s0], [sflag:$0x7], $0x80, v7, vm0, $0xb8;
	[tilespmem:$0x1E500] =	vst v63  }
0xcb: {  	s2 =	rddreg [dreg:$0xc];
	s10 =	simm.s32 $0x0  }
.LBB2_4:
0xcc: {  	v7 =	vld.idx.msk [tilespmem:v5+s1+$0x0], $0xffff;
	_ =	sdelay $0x2  }
0xcd: {  	s7 =	sadd.s32 $0xFFFFFFF0, s2  }
0xce: {  	v8 =	vor.u32 s7, v0  }
0xcf: {  	vm1 =	vgt.s32 v7, v8  }
0xd0: {  	v7 =	vsel vm1, $0x0, v5  }
0xd1: {  	v9 =	vor.u32 $0x200, v7;
	_ =	sdelay $0x4  }
0xd2: {  	v10 =	vld.idx.msk [tilespmem:v9+s1+$0x0], $0xffff;
	_ =	sdelay $0x4  }
0xd3: {  	vm1 =	vgt.s32 v10, v8  }
0xd4: {  	v7 =	vsel vm1, v7, v9  }
0xd5: {  	v9 =	vor.u32 $0x100, v7;
	_ =	sdelay $0x4  }
0xd6: {  	v46 =	vld.idx.msk [tilespmem:v9+s1+$0x0], $0xffff;
	_ =	sdelay $0x4  }
0xd7: {  	vm1 =	vgt.s32 v46, v8  }
0xd8: {  	v7 =	vsel vm1, v7, v9  }
0xd9: {  	v9 =	vor.u32 $0x80, v7;
	_ =	sdelay $0x4  }
0xda: {  	v47 =	vld.idx.msk [tilespmem:v9+s1+$0x0], $0xffff;
	_ =	sdelay $0x4  }
0xdb: {  	vm1 =	vgt.s32 v47, v8  }
0xdc: {  	v7 =	vsel vm1, v7, v9  }
0xdd: {  	v9 =	vor.u32 $0x40, v7;
	_ =	sdelay $0x4  }
0xde: {  	v48 =	vld.idx.msk [tilespmem:v9+s1+$0x0], $0xffff;
	_ =	sdelay $0x4  }
0xdf: {  	vm1 =	vgt.s32 v48, v8  }
0xe0: {  	v7 =	vsel vm1, v7, v9  }
0xe1: {  	v9 =	vor.u32 $0x20, v7;
	_ =	sdelay $0x4  }
0xe2: {  	v49 =	vld.idx.msk [tilespmem:v9+s1+$0x0], $0xffff;
	_ =	sdelay $0x4  }
0xe3: {  	vm1 =	vgt.s32 v49, v8  }
0xe4: {  	v7 =	vsel vm1, v7, v9  }
0xe5: {  	v9 =	vor.u32 $0x10, v7;
	_ =	sdelay $0x4  }
0xe6: {  	v50 =	vld.idx.msk [tilespmem:v9+s1+$0x0], $0xffff;
	_ =	sdelay $0x4  }
0xe7: {  	vm1 =	vgt.s32 v50, v8  }
0xe8: {  	v7 =	vsel vm1, v7, v9  }
0xe9: {  	v9 =	vor.u32 $0x8, v7;
	_ =	sdelay $0x4  }
0xea: {  	v51 =	vld.idx.msk [tilespmem:v9+s1+$0x0], $0xffff;
	_ =	sdelay $0x4  }
0xeb: {  	vm1 =	vgt.s32 v51, v8  }
0xec: {  	v7 =	vsel vm1, v7, v9  }
0xed: {  	v9 =	vor.u32 $0x4, v7;
	_ =	sdelay $0x4  }
0xee: {  	v52 =	vld.idx.msk [tilespmem:v9+s1+$0x0], $0xffff;
	_ =	sdelay $0x4  }
0xef: {  	vm1 =	vgt.s32 v52, v8  }
0xf0: {  	v7 =	vsel vm1, v7, v9  }
0xf1: {  	v9 =	vor.u32 $0x2, v7;
	_ =	sdelay $0x4  }
0xf2: {  	v53 =	vld.idx.msk [tilespmem:v9+s1+$0x0], $0xffff;
	_ =	sdelay $0x4  }
0xf3: {  	vm1 =	vgt.s32 v53, v8  }
0xf4: {  	v7 =	vsel vm1, v7, v9  }
0xf5: {  	v9 =	vor.u32 $0x1, v7;
	_ =	sdelay $0x4  }
0xf6: {  	v9 =	vld.idx.msk [tilespmem:v9+s1+$0x0], $0xffff;
	_ =	sdelay $0x4  }
0xf7: {  	vm1 =	vle.s32 v9, v8  }
0xf8: {  	v9 =	vsel vm1, $0x1, v6  }
0xf9: {  	v7 =	vor.u32 v9, v7;
	_ =	sdelay $0x4  }
0xfa: {  	v9 =	vld.idx.msk [tilespmem:v7+s1+$0x0], $0xffff;
	_ =	sdelay $0x4  }
0xfb: {  	v8 =	vsub.s32 v8, v9  }
0xfc: {  	v8 =	vshll.u32 v8, $0xB  }
0xfd: {  	s25 =	sshra.s32 s10, $0x2;
	v7 =	vadd.s32 v8, v7  }
0xfe: {  	[tilespmem:s25+$0x900] =	vst v7  }
0xff: {  	v7 =	vld.idx.msk [tilespmem:v5+s1+$0x0], $0xffff;
	_ =	sdelay $0x3  }
0x100: {  	v8 =	vor.u32 s2, v0  }
0x101: {  	vm1 =	vgt.s32 v7, v8  }
0x102: {  	v7 =	vsel vm1, $0x0, v5  }
0x103: {  	v54 =	vor.u32 $0x200, v7;
	_ =	sdelay $0x4  }
0x104: {  	v55 =	vld.idx.msk [tilespmem:v54+s1+$0x0], $0xffff;
	_ =	sdelay $0x4  }
0x105: {  	vm1 =	vgt.s32 v55, v8  }
0x106: {  	v7 =	vsel vm1, v7, v54  }
0x107: {  	v9 =	vor.u32 $0x100, v7;
	_ =	sdelay $0x4  }
0x108: {  	v56 =	vld.idx.msk [tilespmem:v9+s1+$0x0], $0xffff;
	_ =	sdelay $0x4  }
0x109: {  	vm1 =	vgt.s32 v56, v8  }
0x10a: {  	v7 =	vsel vm1, v7, v9  }
0x10b: {  	v9 =	vor.u32 $0x80, v7;
	_ =	sdelay $0x4  }
0x10c: {  	v57 =	vld.idx.msk [tilespmem:v9+s1+$0x0], $0xffff;
	_ =	sdelay $0x4  }
0x10d: {  	vm1 =	vgt.s32 v57, v8  }
0x10e: {  	v7 =	vsel vm1, v7, v9  }
0x10f: {  	v9 =	vor.u32 $0x40, v7;
	_ =	sdelay $0x4  }
0x110: {  	v58 =	vld.idx.msk [tilespmem:v9+s1+$0x0], $0xffff;
	_ =	sdelay $0x4  }
0x111: {  	vm1 =	vgt.s32 v58, v8  }
0x112: {  	v7 =	vsel vm1, v7, v9  }
0x113: {  	v9 =	vor.u32 $0x20, v7;
	_ =	sdelay $0x4  }
0x114: {  	v59 =	vld.idx.msk [tilespmem:v9+s1+$0x0], $0xffff;
	_ =	sdelay $0x4  }
0x115: {  	vm1 =	vgt.s32 v59, v8  }
0x116: {  	v7 =	vsel vm1, v7, v9  }
0x117: {  	v9 =	vor.u32 $0x10, v7;
	_ =	sdelay $0x4  }
0x118: {  	v60 =	vld.idx.msk [tilespmem:v9+s1+$0x0], $0xffff;
	_ =	sdelay $0x4  }
0x119: {  	vm1 =	vgt.s32 v60, v8  }
0x11a: {  	v7 =	vsel vm1, v7, v9  }
0x11b: {  	v9 =	vor.u32 $0x8, v7;
	_ =	sdelay $0x4  }
0x11c: {  	v61 =	vld.idx.msk [tilespmem:v9+s1+$0x0], $0xffff;
	_ =	sdelay $0x4  }
0x11d: {  	vm1 =	vgt.s32 v61, v8  }
0x11e: {  	v7 =	vsel vm1, v7, v9  }
0x11f: {  	v9 =	vor.u32 $0x4, v7;
	_ =	sdelay $0x4  }
0x120: {  	v62 =	vld.idx.msk [tilespmem:v9+s1+$0x0], $0xffff;
	_ =	sdelay $0x4  }
0x121: {  	vm1 =	vgt.s32 v62, v8  }
0x122: {  	v7 =	vsel vm1, v7, v9  }
0x123: {  	v9 =	vor.u32 $0x2, v7;
	_ =	sdelay $0x4  }
0x124: {  	v63 =	vld.idx.msk [tilespmem:v9+s1+$0x0], $0xffff;
	_ =	sdelay $0x4  }
0x125: {  	vm1 =	vgt.s32 v63, v8  }
0x126: {  	v7 =	vsel vm1, v7, v9  }
0x127: {  	v9 =	vor.u32 $0x1, v7;
	_ =	sdelay $0x4  }
0x128: {  	v9 =	vld.idx.msk [tilespmem:v9+s1+$0x0], $0xffff;
	_ =	sdelay $0x4  }
0x129: {  	vm1 =	vle.s32 v9, v8  }
0x12a: {  	v9 =	vsel vm1, $0x1, v6  }
0x12b: {  	v7 =	vor.u32 v9, v7;
	_ =	sdelay $0x4  }
0x12c: {  	v9 =	vld.idx.msk [tilespmem:v7+s1+$0x0], $0xffff;
	_ =	sdelay $0x2  }
0x12d: {  	p0 =	sne.s32 s10, $0x2000  }
.Ltmp3:
0x12e: {  	_ = 	snop;
	(pc) =	sbr.rel @p0 .LBB2_4-.Ltmp3, $4  }
0x12f: {  	v8 =	vsub.s32 v8, v9  }
0x130: {  	v8 =	vshll.u32 v8, $0xB  }
0x131: {  	v7 =	vadd.s32 v8, v7  }
0x132: {  	s10 =	sadd.s32 $0x200, s10;
	s2 =	sadd.s32 $0x20, s2;
	[tilespmem:s25+$0x910] =	vst v7  }
.Ltmp4:
0x133: {  	(pc) =	sbr.rel .LBB2_6-.Ltmp4, $2  }
0x134: {  	_ =	sdelay $0x2  }
0x135: {  	s10 =	simm.s32 $0x910;
	s2 =	rddreg [dreg:$0xd]  }
.LBB2_13:
0x136: {  	s25 =	simm.s32 $0x6  }
0x137: {  	_ =	swait.ge [sflag:s25], $0x8000  }
0x138: {  	[sflag:s25] =	ssyncset.done $0x0  }
0x139: {  	[sflag:s25] =	ssyncadd.s32 $0xFFFF8000  }
0x13a: {  	s7 =	sshrl.u32 s2, $0x3;
	s25 =	rddreg [dreg:$0x0]  }
0x13b: {  	s7 =	sadd.s32 s25, s7  }
0x13c: {  	[tilespmem:s21], [sflag:$0x3] =	stream.linear.gather [hbm4b:s7+s6], $0x8000, $0x38;
	[tilespmem:$0x1E500] =	vst v63  }
.LBB2_17:
0x13d: {  	s1 =	sadd.s32 $0x1, s1  }
0x13e: {  	p0 =	sne.s32 s1, $0x11  }
.Ltmp5:
0x13f: {  	_ = 	snop;
	(pc) =	sbr.rel @!p0 .LBB2_18-.Ltmp5, $2  }
0x140: {  	_ =	sdelay $0x2  }
0x141: {  	s2 =	sadd.s32 $0x8000, s2;
	s10 =	sadd.s32 $0x80, s10  }
.LBB2_6:
0x142: {  	s7 =	smul.u32 $0xAB, s1;
	_ =	sdelay $0x1  }
0x143: {  	s7 =	sshrl.u32 s7, $0x9  }
0x144: {  	s7 =	sand.u32 $0x7F, s7  }
0x145: {  	s7 =	smul.u32 $0x3, s7;
	_ =	sdelay $0x1  }
0x146: {  	s7 =	ssub.s32 s1, s7  }
0x147: {  	s7 =	sand.u32 $0xFF, s7  }
0x148: {  	p0 =	seq.s32 s7, $0x2  }
.Ltmp6:
0x149: {  	_ = 	snop;
	(pc) =	sbr.rel @p0 .LBB2_14-.Ltmp6, $1  }
0x14a: {  	_ =	sdelay $0x3  }
0x14b: {  	p0 =	seq.s32 s7, $0x1  }
.Ltmp7:
0x14c: {  	_ = 	snop;
	(pc) =	sbr.rel @!p0 .LBB2_8-.Ltmp7, $1  }
0x14d: {  	_ =	sdelay $0x3  }
0x14e: {  	_ =	swait.ge [sflag:s18], $0x8000  }
0x14f: {  	[sflag:s18] =	ssyncset.done $0x0  }
0x150: {  	[sflag:s18] =	ssyncadd.s32 $0xFFFF8000  }
0x151: {  	v7 =	vld [tilespmem:s10+$0xFFFFFFF0];
	_ =	sdelay $0x4  }
0x152: {  	v8 =	vshll.u32 v7, $0x3  }
0x153: {  	v7 =	vand.u32 $0x7, v7;
	v8 =	vand.u32 $0xFFFFFFC0, v8  }
0x154: {  	v7 =	vor.u32 v7, v8  }
0x155: {  	v8 =	vperm.xlane v7, v2;
	_ =	sdelay $0x1  }
0x156: {  	v8 =	vadd.s32 v3, v8;
	_ =	sdelay $0x4  }
0x157: {  	[hbm4b:s5+s6] =	stream.indirect_vreg.scatter [tilespmem:s20], [sflag:$0x5], $0x80, v8, vm0, $0xb8;
	[tilespmem:$0x1E500] =	vst v63  }
0x158: {  	s7 =	simm.s32 $0xAD00;
	v7 =	vperm.xlane v7, v4  }
0x159: {  	[hbm4b:s12+s6] =	stream.indirect_vreg.scatter [tilespmem:s7], [sflag:$0x5], $0x80, v8, vm0, $0xb8;
	[tilespmem:$0x1E500] =	vst v63  }
0x15a: {  	s25 =	simm.s32 $0xB500;
	v7 =	vadd.s32 v3, v7  }
0x15b: {  	[hbm4b:s13+s6] =	stream.indirect_vreg.scatter [tilespmem:s25], [sflag:$0x5], $0x80, v8, vm0, $0xb8;
	[tilespmem:$0x1E500] =	vst v63  }
0x15c: {  	s25 =	simm.s32 $0xBD00  }
0x15d: {  	[hbm4b:s14+s6] =	stream.indirect_vreg.scatter [tilespmem:s25], [sflag:$0x5], $0x80, v8, vm0, $0xb8;
	[tilespmem:$0x1E500] =	vst v63  }
0x15e: {  	s25 =	simm.s32 $0xC500  }
0x15f: {  	[hbm4b:s5+s6] =	stream.indirect_vreg.scatter [tilespmem:s25], [sflag:$0x5], $0x80, v7, vm0, $0xb8;
	[tilespmem:$0x1E500] =	vst v63  }
0x160: {  	s25 =	simm.s32 $0xCD00  }
0x161: {  	[hbm4b:s12+s6] =	stream.indirect_vreg.scatter [tilespmem:s25], [sflag:$0x5], $0x80, v7, vm0, $0xb8;
	[tilespmem:$0x1E500] =	vst v63  }
0x162: {  	s25 =	simm.s32 $0xD500  }
0x163: {  	[hbm4b:s13+s6] =	stream.indirect_vreg.scatter [tilespmem:s25], [sflag:$0x5], $0x80, v7, vm0, $0xb8;
	[tilespmem:$0x1E500] =	vst v63  }
0x164: {  	s25 =	simm.s32 $0xDD00  }
0x165: {  	[hbm4b:s14+s6] =	stream.indirect_vreg.scatter [tilespmem:s25], [sflag:$0x5], $0x80, v7, vm0, $0xb8;
	[tilespmem:$0x1E500] =	vst v63  }
0x166: {  	v7 =	vld [tilespmem:s10+$0x0];
	_ =	sdelay $0x4  }
0x167: {  	v8 =	vshll.u32 v7, $0x3  }
0x168: {  	v7 =	vand.u32 $0x7, v7;
	v8 =	vand.u32 $0xFFFFFFC0, v8  }
0x169: {  	v7 =	vor.u32 v7, v8  }
0x16a: {  	v8 =	vperm.xlane v7, v2;
	_ =	sdelay $0x1  }
0x16b: {  	v8 =	vadd.s32 v3, v8;
	_ =	sdelay $0x3  }
0x16c: {  	s25 =	simm.s32 $0xE500  }
0x16d: {  	[hbm4b:s5+s6] =	stream.indirect_vreg.scatter [tilespmem:s25], [sflag:$0x5], $0x80, v8, vm0, $0xb8;
	[tilespmem:$0x1E500] =	vst v63  }
0x16e: {  	v7 =	vperm.xlane v7, v4;
	s25 =	simm.s32 $0xED00  }
0x16f: {  	[hbm4b:s12+s6] =	stream.indirect_vreg.scatter [tilespmem:s25], [sflag:$0x5], $0x80, v8, vm0, $0xb8;
	[tilespmem:$0x1E500] =	vst v63  }
0x170: {  	v7 =	vadd.s32 v3, v7;
	s25 =	simm.s32 $0xF500  }
0x171: {  	[hbm4b:s13+s6] =	stream.indirect_vreg.scatter [tilespmem:s25], [sflag:$0x5], $0x80, v8, vm0, $0xb8;
	[tilespmem:$0x1E500] =	vst v63  }
0x172: {  	s25 =	simm.s32 $0xFD00  }
0x173: {  	[hbm4b:s14+s6] =	stream.indirect_vreg.scatter [tilespmem:s25], [sflag:$0x5], $0x80, v8, vm0, $0xb8;
	[tilespmem:$0x1E500] =	vst v63  }
0x174: {  	s25 =	simm.s32 $0x10500  }
0x175: {  	[hbm4b:s5+s6] =	stream.indirect_vreg.scatter [tilespmem:s25], [sflag:$0x5], $0x80, v7, vm0, $0xb8;
	[tilespmem:$0x1E500] =	vst v63  }
0x176: {  	p0 =	sgt.u32 s1, $0x10;
	s25 =	simm.s32 $0x10D00  }
0x177: {  	[hbm4b:s12+s6] =	stream.indirect_vreg.scatter [tilespmem:s25], [sflag:$0x5], $0x80, v7, vm0, $0xb8;
	[tilespmem:$0x1E500] =	vst v63  }
.Ltmp8:
0x178: {  	_ = 	snop;
	(pc) =	sbr.rel @p0 .LBB2_13-.Ltmp8, $4  }
0x179: {  	s25 =	simm.s32 $0x11500  }
0x17a: {  	[hbm4b:s13+s6] =	stream.indirect_vreg.scatter [tilespmem:s25], [sflag:$0x5], $0x80, v7, vm0, $0xb8;
	[tilespmem:$0x1E500] =	vst v63  }
0x17b: {  	s25 =	simm.s32 $0x11D00  }
0x17c: {  	[hbm4b:s14+s6] =	stream.indirect_vreg.scatter [tilespmem:s25], [sflag:$0x5], $0x80, v7, vm0, $0xb8;
	[tilespmem:$0x1E500] =	vst v63  }
0x17d: {  	s7 =	sshll.u32 s11, s1  }
0x17e: {  	s7 =	sand.u32 $0x10003, s7  }
0x17f: {  	p0 =	sne.s32 s7, $0x0  }
.Ltmp9:
0x180: {  	_ = 	snop;
	(pc) =	sbr.rel @p0 .LBB2_17-.Ltmp9, $4  }
.Ltmp10:
0x181: {  	_ = 	snop;
	(pc) =	sbr.rel @!p0 .LBB2_13-.Ltmp10, $4  }
0x182: {  	_ = 	snop  }
0x183: {  	_ = 	snop  }
0x184: {  	_ = 	snop  }
0x185: {  	_ = 	snop  }
.LBB2_14:
0x186: {  	_ =	swait.ge [sflag:s4], $0x8000  }
0x187: {  	[sflag:s4] =	ssyncset.done $0x0  }
0x188: {  	[sflag:s4] =	ssyncadd.s32 $0xFFFF8000  }
0x189: {  	v7 =	vld [tilespmem:s10+$0xFFFFFFF0];
	_ =	sdelay $0x4  }
0x18a: {  	v8 =	vshll.u32 v7, $0x3  }
0x18b: {  	v7 =	vand.u32 $0x7, v7;
	v8 =	vand.u32 $0xFFFFFFC0, v8  }
0x18c: {  	v7 =	vor.u32 v7, v8  }
0x18d: {  	v8 =	vperm.xlane v7, v2;
	_ =	sdelay $0x1  }
0x18e: {  	v8 =	vadd.s32 v3, v8;
	_ =	sdelay $0x4  }
0x18f: {  	[hbm4b:s5+s6] =	stream.indirect_vreg.scatter [tilespmem:s21], [sflag:$0x6], $0x80, v8, vm0, $0xb8;
	[tilespmem:$0x1E500] =	vst v63  }
0x190: {  	s7 =	simm.s32 $0x12D00;
	v7 =	vperm.xlane v7, v4  }
0x191: {  	[hbm4b:s12+s6] =	stream.indirect_vreg.scatter [tilespmem:s7], [sflag:$0x6], $0x80, v8, vm0, $0xb8;
	[tilespmem:$0x1E500] =	vst v63  }
0x192: {  	s25 =	simm.s32 $0x13500;
	v7 =	vadd.s32 v3, v7  }
0x193: {  	[hbm4b:s13+s6] =	stream.indirect_vreg.scatter [tilespmem:s25], [sflag:$0x6], $0x80, v8, vm0, $0xb8;
	[tilespmem:$0x1E500] =	vst v63  }
0x194: {  	s25 =	simm.s32 $0x13D00  }
0x195: {  	[hbm4b:s14+s6] =	stream.indirect_vreg.scatter [tilespmem:s25], [sflag:$0x6], $0x80, v8, vm0, $0xb8;
	[tilespmem:$0x1E500] =	vst v63  }
0x196: {  	s25 =	simm.s32 $0x14500  }
0x197: {  	[hbm4b:s5+s6] =	stream.indirect_vreg.scatter [tilespmem:s25], [sflag:$0x6], $0x80, v7, vm0, $0xb8;
	[tilespmem:$0x1E500] =	vst v63  }
0x198: {  	s25 =	simm.s32 $0x14D00  }
0x199: {  	[hbm4b:s12+s6] =	stream.indirect_vreg.scatter [tilespmem:s25], [sflag:$0x6], $0x80, v7, vm0, $0xb8;
	[tilespmem:$0x1E500] =	vst v63  }
0x19a: {  	s25 =	simm.s32 $0x15500  }
0x19b: {  	[hbm4b:s13+s6] =	stream.indirect_vreg.scatter [tilespmem:s25], [sflag:$0x6], $0x80, v7, vm0, $0xb8;
	[tilespmem:$0x1E500] =	vst v63  }
0x19c: {  	s25 =	simm.s32 $0x15D00  }
0x19d: {  	[hbm4b:s14+s6] =	stream.indirect_vreg.scatter [tilespmem:s25], [sflag:$0x6], $0x80, v7, vm0, $0xb8;
	[tilespmem:$0x1E500] =	vst v63  }
0x19e: {  	v7 =	vld [tilespmem:s10+$0x0];
	_ =	sdelay $0x4  }
0x19f: {  	v8 =	vshll.u32 v7, $0x3  }
0x1a0: {  	v7 =	vand.u32 $0x7, v7;
	v8 =	vand.u32 $0xFFFFFFC0, v8  }
0x1a1: {  	v7 =	vor.u32 v7, v8  }
0x1a2: {  	v8 =	vperm.xlane v7, v2;
	_ =	sdelay $0x1  }
0x1a3: {  	v8 =	vadd.s32 v3, v8;
	_ =	sdelay $0x3  }
0x1a4: {  	s25 =	simm.s32 $0x16500  }
0x1a5: {  	[hbm4b:s5+s6] =	stream.indirect_vreg.scatter [tilespmem:s25], [sflag:$0x6], $0x80, v8, vm0, $0xb8;
	[tilespmem:$0x1E500] =	vst v63  }
0x1a6: {  	v7 =	vperm.xlane v7, v4;
	s25 =	simm.s32 $0x16D00  }
0x1a7: {  	[hbm4b:s12+s6] =	stream.indirect_vreg.scatter [tilespmem:s25], [sflag:$0x6], $0x80, v8, vm0, $0xb8;
	[tilespmem:$0x1E500] =	vst v63  }
0x1a8: {  	v7 =	vadd.s32 v3, v7;
	s25 =	simm.s32 $0x17500  }
0x1a9: {  	[hbm4b:s13+s6] =	stream.indirect_vreg.scatter [tilespmem:s25], [sflag:$0x6], $0x80, v8, vm0, $0xb8;
	[tilespmem:$0x1E500] =	vst v63  }
0x1aa: {  	s25 =	simm.s32 $0x17D00  }
0x1ab: {  	[hbm4b:s14+s6] =	stream.indirect_vreg.scatter [tilespmem:s25], [sflag:$0x6], $0x80, v8, vm0, $0xb8;
	[tilespmem:$0x1E500] =	vst v63  }
0x1ac: {  	s25 =	simm.s32 $0x18500  }
0x1ad: {  	[hbm4b:s5+s6] =	stream.indirect_vreg.scatter [tilespmem:s25], [sflag:$0x6], $0x80, v7, vm0, $0xb8;
	[tilespmem:$0x1E500] =	vst v63  }
0x1ae: {  	p0 =	sgt.u32 s1, $0x10;
	s25 =	simm.s32 $0x18D00  }
0x1af: {  	[hbm4b:s12+s6] =	stream.indirect_vreg.scatter [tilespmem:s25], [sflag:$0x6], $0x80, v7, vm0, $0xb8;
	[tilespmem:$0x1E500] =	vst v63  }
.Ltmp11:
0x1b0: {  	_ = 	snop;
	(pc) =	sbr.rel @p0 .LBB2_16-.Ltmp11, $4  }
0x1b1: {  	s25 =	simm.s32 $0x19500  }
0x1b2: {  	[hbm4b:s13+s6] =	stream.indirect_vreg.scatter [tilespmem:s25], [sflag:$0x6], $0x80, v7, vm0, $0xb8;
	[tilespmem:$0x1E500] =	vst v63  }
0x1b3: {  	s25 =	simm.s32 $0x19D00  }
0x1b4: {  	[hbm4b:s14+s6] =	stream.indirect_vreg.scatter [tilespmem:s25], [sflag:$0x6], $0x80, v7, vm0, $0xb8;
	[tilespmem:$0x1E500] =	vst v63  }
0x1b5: {  	s7 =	sshll.u32 s11, s1  }
0x1b6: {  	s7 =	sand.u32 $0x10003, s7  }
0x1b7: {  	p0 =	sne.s32 s7, $0x0  }
.Ltmp12:
0x1b8: {  	_ = 	snop;
	(pc) =	sbr.rel @p0 .LBB2_17-.Ltmp12, $1  }
0x1b9: {  	_ =	sdelay $0x3  }
.LBB2_16:
0x1ba: {  	s25 =	simm.s32 $0x4  }
0x1bb: {  	_ =	swait.ge [sflag:s25], $0x8000  }
.Ltmp13:
0x1bc: {  	[sflag:s25] =	ssyncset.done $0x0;
	(pc) =	sbr.rel .LBB2_17-.Ltmp13, $4  }
0x1bd: {  	[sflag:s25] =	ssyncadd.s32 $0xFFFF8000  }
0x1be: {  	s7 =	sshrl.u32 s2, $0x3;
	s25 =	rddreg [dreg:$0x0]  }
0x1bf: {  	s7 =	sadd.s32 s25, s7  }
0x1c0: {  	[tilespmem:s19], [sflag:$0x1] =	stream.linear.gather [hbm4b:s7+s6], $0x8000, $0x38;
	[tilespmem:$0x1E500] =	vst v63  }
.LBB2_8:
0x1c1: {  	_ =	swait.ge [sflag:s11], $0x8000  }
0x1c2: {  	[sflag:s11] =	ssyncset.done $0x0  }
0x1c3: {  	[sflag:s11] =	ssyncadd.s32 $0xFFFF8000  }
0x1c4: {  	v7 =	vld [tilespmem:s10+$0xFFFFFFF0];
	_ =	sdelay $0x4  }
0x1c5: {  	v8 =	vshll.u32 v7, $0x3  }
0x1c6: {  	v7 =	vand.u32 $0x7, v7;
	v8 =	vand.u32 $0xFFFFFFC0, v8  }
0x1c7: {  	v7 =	vor.u32 v7, v8  }
0x1c8: {  	v8 =	vperm.xlane v7, v2;
	_ =	sdelay $0x1  }
0x1c9: {  	v8 =	vadd.s32 v3, v8;
	_ =	sdelay $0x4  }
0x1ca: {  	[hbm4b:s5+s6] =	stream.indirect_vreg.scatter [tilespmem:s19], [sflag:$0x4], $0x80, v8, vm0, $0xb8;
	[tilespmem:$0x1E500] =	vst v63  }
0x1cb: {  	s7 =	simm.s32 $0x2D00;
	v7 =	vperm.xlane v7, v4  }
0x1cc: {  	[hbm4b:s12+s6] =	stream.indirect_vreg.scatter [tilespmem:s7], [sflag:$0x4], $0x80, v8, vm0, $0xb8;
	[tilespmem:$0x1E500] =	vst v63  }
0x1cd: {  	s25 =	simm.s32 $0x3500;
	v7 =	vadd.s32 v3, v7  }
0x1ce: {  	[hbm4b:s13+s6] =	stream.indirect_vreg.scatter [tilespmem:s25], [sflag:$0x4], $0x80, v8, vm0, $0xb8;
	[tilespmem:$0x1E500] =	vst v63  }
0x1cf: {  	s25 =	simm.s32 $0x3D00  }
0x1d0: {  	[hbm4b:s14+s6] =	stream.indirect_vreg.scatter [tilespmem:s25], [sflag:$0x4], $0x80, v8, vm0, $0xb8;
	[tilespmem:$0x1E500] =	vst v63  }
0x1d1: {  	s25 =	simm.s32 $0x4500  }
0x1d2: {  	[hbm4b:s5+s6] =	stream.indirect_vreg.scatter [tilespmem:s25], [sflag:$0x4], $0x80, v7, vm0, $0xb8;
	[tilespmem:$0x1E500] =	vst v63  }
0x1d3: {  	s25 =	simm.s32 $0x4D00  }
0x1d4: {  	[hbm4b:s12+s6] =	stream.indirect_vreg.scatter [tilespmem:s25], [sflag:$0x4], $0x80, v7, vm0, $0xb8;
	[tilespmem:$0x1E500] =	vst v63  }
0x1d5: {  	s25 =	simm.s32 $0x5500  }
0x1d6: {  	[hbm4b:s13+s6] =	stream.indirect_vreg.scatter [tilespmem:s25], [sflag:$0x4], $0x80, v7, vm0, $0xb8;
	[tilespmem:$0x1E500] =	vst v63  }
0x1d7: {  	s25 =	simm.s32 $0x5D00  }
0x1d8: {  	[hbm4b:s14+s6] =	stream.indirect_vreg.scatter [tilespmem:s25], [sflag:$0x4], $0x80, v7, vm0, $0xb8;
	[tilespmem:$0x1E500] =	vst v63  }
0x1d9: {  	v7 =	vld [tilespmem:s10+$0x0];
	_ =	sdelay $0x4  }
0x1da: {  	v8 =	vshll.u32 v7, $0x3  }
0x1db: {  	v7 =	vand.u32 $0x7, v7;
	v8 =	vand.u32 $0xFFFFFFC0, v8  }
0x1dc: {  	v7 =	vor.u32 v7, v8  }
0x1dd: {  	v8 =	vperm.xlane v7, v2;
	_ =	sdelay $0x1  }
0x1de: {  	v8 =	vadd.s32 v3, v8;
	_ =	sdelay $0x3  }
0x1df: {  	s25 =	simm.s32 $0x6500  }
0x1e0: {  	[hbm4b:s5+s6] =	stream.indirect_vreg.scatter [tilespmem:s25], [sflag:$0x4], $0x80, v8, vm0, $0xb8;
	[tilespmem:$0x1E500] =	vst v63  }
0x1e1: {  	v7 =	vperm.xlane v7, v4;
	s25 =	simm.s32 $0x6D00  }
0x1e2: {  	[hbm4b:s12+s6] =	stream.indirect_vreg.scatter [tilespmem:s25], [sflag:$0x4], $0x80, v8, vm0, $0xb8;
	[tilespmem:$0x1E500] =	vst v63  }
0x1e3: {  	v7 =	vadd.s32 v3, v7;
	s25 =	simm.s32 $0x7500  }
0x1e4: {  	[hbm4b:s13+s6] =	stream.indirect_vreg.scatter [tilespmem:s25], [sflag:$0x4], $0x80, v8, vm0, $0xb8;
	[tilespmem:$0x1E500] =	vst v63  }
0x1e5: {  	s25 =	simm.s32 $0x7D00  }
0x1e6: {  	[hbm4b:s14+s6] =	stream.indirect_vreg.scatter [tilespmem:s25], [sflag:$0x4], $0x80, v8, vm0, $0xb8;
	[tilespmem:$0x1E500] =	vst v63  }
0x1e7: {  	s25 =	simm.s32 $0x8500  }
0x1e8: {  	[hbm4b:s5+s6] =	stream.indirect_vreg.scatter [tilespmem:s25], [sflag:$0x4], $0x80, v7, vm0, $0xb8;
	[tilespmem:$0x1E500] =	vst v63  }
0x1e9: {  	p0 =	sgt.u32 s1, $0x10  }
0x1ea: {  	[hbm4b:s12+s6] =	stream.indirect_vreg.scatter [tilespmem:s15], [sflag:$0x4], $0x80, v7, vm0, $0xb8;
	[tilespmem:$0x1E500] =	vst v63  }
.Ltmp14:
0x1eb: {  	_ = 	snop;
	(pc) =	sbr.rel @p0 .LBB2_10-.Ltmp14, $4  }
0x1ec: {  	_ = 	snop  }
0x1ed: {  	[hbm4b:s13+s6] =	stream.indirect_vreg.scatter [tilespmem:s8], [sflag:$0x4], $0x80, v7, vm0, $0xb8;
	[tilespmem:$0x1E500] =	vst v63  }
0x1ee: {  	_ = 	snop  }
0x1ef: {  	[hbm4b:s14+s6] =	stream.indirect_vreg.scatter [tilespmem:s16], [sflag:$0x4], $0x80, v7, vm0, $0xb8;
	[tilespmem:$0x1E500] =	vst v63  }
0x1f0: {  	s7 =	sshll.u32 s11, s1  }
0x1f1: {  	s7 =	sand.u32 $0x10003, s7  }
0x1f2: {  	p0 =	sne.s32 s7, $0x0  }
.Ltmp15:
0x1f3: {  	_ = 	snop;
	(pc) =	sbr.rel @p0 .LBB2_17-.Ltmp15, $1  }
0x1f4: {  	_ =	sdelay $0x3  }
.LBB2_10:
0x1f5: {  	s25 =	simm.s32 $0x5  }
0x1f6: {  	_ =	swait.ge [sflag:s25], $0x8000  }
.Ltmp16:
0x1f7: {  	[sflag:s25] =	ssyncset.done $0x0;
	(pc) =	sbr.rel .LBB2_17-.Ltmp16, $4  }
0x1f8: {  	[sflag:s25] =	ssyncadd.s32 $0xFFFF8000  }
0x1f9: {  	s7 =	sshrl.u32 s2, $0x3;
	s25 =	rddreg [dreg:$0x0]  }
0x1fa: {  	s7 =	sadd.s32 s25, s7  }
0x1fb: {  	[tilespmem:s20], [sflag:$0x2] =	stream.linear.gather [hbm4b:s7+s6], $0x8000, $0x38;
	[tilespmem:$0x1E500] =	vst v63  }
.LBB2_19:
0x1fc: {  	_ =	sfence.sel $0x180000  }
0x1fd: {  	[bflag:$0x0] =	sbarrier.arrive $0xFFFF  }
0x1fe: {  	_ =	strace $0x90000047  }
0x1ff: {  	s0 =	stileid.u32;
	[bflag:$0x2] =	sbarrier.arrive $0xFFFF  }
0x200: {  	p0 =	sne.s32 s0, $0x0;
	s0 =	rddreg [dreg:$0x4]  }
0x201: {  	s0 =	sadd.s32 @!p0 $0x100000, s0  }
0x202: {  	[sflag:s0] =	ssyncadd.tile.s32 @!p0 $0x1;
	_ =	shalt  }
.Lfunc_end2:
_tile_overlayer_lowered:
.L_overlay_start_2:
0x203: {  	(tag) =	ssettag $0x2  }
0x204: {  	s0 =	rddreg [dreg:$0x0];
	s2 =	stileid.u32  }
0x205: {  	s1 =	rddreg [dreg:$0x1];
	p0 =	sne.s32 s2, $0x0  }
0x206: {  	s3 =	rddreg [dreg:$0x2];
	[bflag:$0x3] =	sbarrier.arrive $0xFFFF;
	s2 =	simm.s32 @!p0 $0x1C09  }
0x207: {  	[timem:s3], [sflag:s2] =	dma.local @!p0 [hbm:s0], s1  }
0x208: {  	s0 =	simm.s32 @!p0 $0x9  }
0x209: {  	_ =	swait.ge @!p0 [sflag:s0], s1  }
0x20a: {  	s1 =	ssub.s32 @!p0 $0x0, s1;
	[sflag:s0] =	ssyncset.done @!p0 $0x0  }
0x20b: {  	[sflag:s0] =	ssyncadd.s32 @!p0 s1  }
0x20c: {  	[bflag:$0x3] =	sbarrier.arrive $0xFFFF  }
0x20d: {  	_ =	shalt  }

</sc_bundles>
